<compile_context>
chip_gen: v7x
topology: tpu7x:2x2x1
jax: 0.10.2.dev20260603
libtpu: 0.0.44.dev20260713+nightly
codegen_flags: <defaults>
</compile_context>

<pallas_src>
import jax
import jax.numpy as jnp
from jax import lax
from jax.experimental import pallas as pl
from jax.experimental.pallas import tpu as pltpu
from jax.experimental.pallas import tpu_sc as plsc

F32 = jnp.float32

N = 10000
D = 128
H = 32
NPAD = 10240
NC = 2
NS = 16
NW = NC * NS
ROWS_PER_SUB = NPAD // NS
CHUNK = 125
KDEEP = 8


def _sc1_body(xp_hbm, src_hbm, dst_hbm, s1a, s1b, cnta, cntb,
              src_v, dst_v, rows_v, zrow_v, z1_v, ones_v, s1_sh, cnt_sh, xp_sh,
              gsem, ssem):
    c = lax.axis_index("c")
    s = lax.axis_index("s")
    wid = c * NS + s
    ch = src_v.shape[0]

    def _zr(i, _):
        zrow_v[i, pl.ds(0, 16)] = jnp.zeros((16,), F32)
        zrow_v[i, pl.ds(16, 16)] = jnp.zeros((16,), F32)
        return 0
    lax.fori_loop(0, ROWS_PER_SUB, _zr, 0)

    def _z1(i, _):
        z1_v[pl.ds(i * 16, 16)] = jnp.zeros((16,), F32)
        return 0
    lax.fori_loop(0, ROWS_PER_SUB // 16, _z1, 0)

    for g in range(CHUNK // 16 + 1):
        ones_v[pl.ds(g * 16, 16)] = jnp.ones((16,), F32)

    slc = pl.ds(s * ROWS_PER_SUB, ROWS_PER_SUB)
    pltpu.sync_copy(zrow_v, s1_sh.at[slc])
    pltpu.sync_copy(z1_v, cnt_sh.at[slc])
    pltpu.sync_copy(xp_hbm.at[slc], xp_sh.at[slc])

    pltpu.sync_copy(src_hbm.at[wid], src_v)
    pltpu.sync_copy(dst_hbm.at[wid], dst_v)
    plsc.subcore_barrier()

    def _super(sj, _):
        base = sj * KDEEP
        gds = [pltpu.async_copy(xp_sh.at[src_v.at[base + b]], rows_v.at[b], gsem)
               for b in range(KDEEP)]
        sds = []
        for b in range(KDEEP):
            gds[b].wait()
            sds.append(pltpu.async_copy(rows_v.at[b], s1_sh.at[dst_v.at[base + b]],
                                        ssem, add=True))
            sds.append(pltpu.async_copy(ones_v.at[pl.ds(0, CHUNK)],
                                        cnt_sh.at[dst_v.at[base + b]],
                                        ssem, add=True))
        for d in sds:
            d.wait()
        return 0
    lax.fori_loop(0, ch // KDEEP, _super, 0)

    plsc.subcore_barrier()

    @pl.when(c == 0)
    def _():
        pltpu.sync_copy(s1_sh.at[slc], s1a.at[slc])
        pltpu.sync_copy(cnt_sh.at[slc], cnta.at[slc])

    @pl.when(c == 1)
    def _():
        pltpu.sync_copy(s1_sh.at[slc], s1b.at[slc])
        pltpu.sync_copy(cnt_sh.at[slc], cntb.at[slc])


def _sc2_body(hp_hbm, src_hbm, dst_hbm, out_hbm, hp_v, acc_v, src_v, dst_v):
    c = lax.axis_index("c")
    s = lax.axis_index("s")
    wid = c * NS + s
    ew = src_v.shape[0]

    def _z(i, _):
        acc_v[pl.ds(i * 16, 16)] = jnp.zeros((16,), F32)
        return 0
    lax.fori_loop(0, NPAD // 16, _z, 0)

    pltpu.sync_copy(hp_hbm, hp_v)
    pltpu.sync_copy(src_hbm.at[wid], src_v)
    pltpu.sync_copy(dst_hbm.at[wid], dst_v)

    def _grp(i, _):
        sidx = src_v[pl.ds(i * 16, 16)]
        didx = dst_v[pl.ds(i * 16, 16)]
        vals = plsc.load_gather(hp_v, [sidx])
        plsc.addupdate_scatter(acc_v, [didx], vals)
        return 0
    lax.fori_loop(0, ew // 16, _grp, 0)

    pltpu.sync_copy(acc_v, out_hbm.at[wid])


def _fin_body(s2p_ref, inv_ref, hr_ref, b2_ref, out_ref):
    ones = jnp.ones((NW, 1), F32)
    s2 = lax.dot_general(s2p_ref[...], ones, (((0,), (0,)), ((), ())),
                         preferred_element_type=F32)
    out_ref[...] = s2 * inv_ref[...] + b2_ref[...] + hr_ref[...]


def _mm_body(x_ref, wl_ref, wr_ref, xp_ref, xr_ref):
    x = x_ref[...]
    xp_ref[0:N, :] = jnp.dot(x, wl_ref[...], preferred_element_type=F32)
    xr_ref[0:N, :] = jnp.dot(x, wr_ref[...], preferred_element_type=F32)


def _mid_body(s1a_ref, s1b_ref, cnta_ref, cntb_ref, xr_ref, b1_ref, w2l_ref,
              w2r_ref, hp_ref, hr_ref, inv_ref):
    cnt = cnta_ref[...] + cntb_ref[...]
    inv = 1.0 / jnp.maximum(cnt, 1.0)
    h = jnp.maximum((s1a_ref[...] + s1b_ref[...]) * inv + b1_ref[...] + xr_ref[...], 0.0)
    hp_ref[...] = jnp.dot(h, w2l_ref[...], preferred_element_type=F32)
    hr_ref[...] = jnp.dot(h, w2r_ref[...], preferred_element_type=F32)
    inv_ref[...] = inv


@jax.jit
def kernel(x, edge_index, W1l, b1, W1r, W2l, b2, W2r):
    E = edge_index.shape[1]
    ew = E // NW
    ch = ew // CHUNK

    src = edge_index[0].astype(jnp.int32)
    dst = edge_index[1].astype(jnp.int32)
    src3 = src.reshape(NW, ch, CHUNK)
    dst3 = dst.reshape(NW, ch, CHUNK)

    xp, xr = pl.pallas_call(
        _mm_body,
        out_shape=[jax.ShapeDtypeStruct((NPAD, H), F32),
                   jax.ShapeDtypeStruct((NPAD, H), F32)],
    )(x, W1l.T, W1r.T)

    mesh = plsc.VectorSubcoreMesh(core_axis_name="c", subcore_axis_name="s")
    sc1 = pl.kernel(
        _sc1_body,
        out_type=[jax.ShapeDtypeStruct((NPAD, H), F32),
                  jax.ShapeDtypeStruct((NPAD, H), F32),
                  jax.ShapeDtypeStruct((NPAD,), F32),
                  jax.ShapeDtypeStruct((NPAD,), F32)],
        mesh=mesh,
        scratch_types=[
            pltpu.VMEM((ch, CHUNK), jnp.int32),
            pltpu.VMEM((ch, CHUNK), jnp.int32),
            pltpu.VMEM((KDEEP, CHUNK, H), F32),
            pltpu.VMEM((ROWS_PER_SUB, H), F32),
            pltpu.VMEM((ROWS_PER_SUB,), F32),
            pltpu.VMEM((CHUNK + 3,), F32),
            pltpu.VMEM_SHARED((NPAD, H), F32),
            pltpu.VMEM_SHARED((NPAD,), F32),
            pltpu.VMEM_SHARED((NPAD, H), F32),
            pltpu.SemaphoreType.DMA,
            pltpu.SemaphoreType.DMA,
        ],
        compiler_params=pltpu.CompilerParams(
            use_tc_tiling_on_sc=False, needs_layout_passes=False),
    )
    s1a, s1b, cnta, cntb = sc1(xp, src3, dst3)

    hp, hr, inv = pl.pallas_call(
        _mid_body,
        out_shape=[jax.ShapeDtypeStruct((NPAD, 1), F32),
                   jax.ShapeDtypeStruct((NPAD, 1), F32),
                   jax.ShapeDtypeStruct((NPAD, 1), F32)],
    )(s1a, s1b, cnta.reshape(NPAD, 1), cntb.reshape(NPAD, 1), xr,
      b1.reshape(1, H), W2l.T, W2r.T)

    sc2 = pl.kernel(
        _sc2_body,
        out_type=jax.ShapeDtypeStruct((NW, NPAD), F32),
        mesh=mesh,
        scratch_types=[
            pltpu.VMEM((NPAD,), F32),
            pltpu.VMEM((NPAD,), F32),
            pltpu.VMEM((ew,), jnp.int32),
            pltpu.VMEM((ew,), jnp.int32),
        ],
        compiler_params=pltpu.CompilerParams(
            use_tc_tiling_on_sc=False, needs_layout_passes=False),
    )
    s2p = sc2(hp.reshape(NPAD), src.reshape(NW, ew), dst.reshape(NW, ew))

    out = pl.pallas_call(
        _fin_body,
        out_shape=jax.ShapeDtypeStruct((NPAD, 1), F32),
    )(s2p, inv, hr, b2.reshape(1, 1))

    return out[:N]

# --- scband reference (transcript-rebuilt; emitter-appended) ---
"""Pipeline reference for scband-graph-sage-16295105921228 (READ-ONLY COPY).

The authoritative reference and input builder live on the scoring server;
editing this copy changes nothing except your own understanding.
"""

import jax, jax.numpy as jnp
import numpy as np


def _sage_conv(x, edge_index, Wl, bl, Wr):
    # PyG SAGEConv (aggr='mean'): out = lin_l(mean_{j in N(i)} x_j) + lin_r(x_i)
    src = edge_index[0]
    dst = edge_index[1]
    N = x.shape[0]
    msgs = x[src]
    sums = jax.ops.segment_sum(msgs, dst, num_segments=N)
    cnt = jax.ops.segment_sum(jnp.ones((msgs.shape[0], 1), dtype=x.dtype), dst, num_segments=N)
    mean = sums / jnp.maximum(cnt, 1.0)
    return mean @ Wl.T + bl + x @ Wr.T


def setup_inputs(seed: int = 0) -> dict:
    key = jax.random.key(seed)
    k1, k2, k3, k4, k5, k6, k7 = jax.random.split(key, 7)
    N, E, D, H = 10000, 320000, 128, 32
    x = jax.random.normal(k1, (N, D), dtype=jnp.float32)
    edge_index = jax.random.randint(k2, (2, E), 0, N, dtype=jnp.int64)
    s1 = 1.0 / np.sqrt(D)
    s2 = 1.0 / np.sqrt(H)
    W1l = jax.random.uniform(k3, (H, D), jnp.float32, -s1, s1)
    b1 = jax.random.uniform(k4, (H,), jnp.float32, -s1, s1)
    W1r = jax.random.uniform(k5, (H, D), jnp.float32, -s1, s1)
    W2l = jax.random.uniform(k6, (1, H), jnp.float32, -s2, s2)
    b2 = jnp.zeros((1,), jnp.float32)
    W2r = jax.random.uniform(k7, (1, H), jnp.float32, -s2, s2)
    return {"x": x, "edge_index": edge_index, "W1l": W1l, "b1": b1, "W1r": W1r, "W2l": W2l, "b2": b2, "W2r": W2r}


def reference(x, edge_index, W1l, b1, W1r, W2l, b2, W2r):
    h = _sage_conv(x, edge_index, W1l, b1, W1r)
    h = jax.nn.relu(h)
    out = _sage_conv(h, edge_index, W2l, b2, W2r)
    return out

if __name__ == "__main__":
    import jax
    _d = setup_inputs()
    print(jax.jit(kernel)(*tuple(_d.values())))

</pallas_src>

<mosaic_0001>
#map = affine_map<(d0, d1) -> (0)>
#map1 = affine_map<(d0, d1) -> (0, 0)>
module attributes {stable_mosaic.version = 14 : i64} {
  func.func @_sc2_body(%arg0: i32, %arg1: i32, %arg2: memref<10240xf32, #tpu.memory_space<hbm>>, %arg3: memref<32x10000xi32, #tpu.memory_space<hbm>>, %arg4: memref<32x10000xi32, #tpu.memory_space<hbm>>, %arg5: memref<32x10240xf32, #tpu.memory_space<hbm>>, %arg6: memref<10240xf32, #tpu.memory_space<vmem>>, %arg7: memref<10240xf32, #tpu.memory_space<vmem>>, %arg8: memref<10000xi32, #tpu.memory_space<vmem>>, %arg9: memref<10000xi32, #tpu.memory_space<vmem>>) attributes {dimension_semantics = [#tpu.dimension_semantics<core_parallel>, #tpu.dimension_semantics<subcore_parallel>], iteration_bounds = array<i64: 2, 16>, scalar_prefetch = 0 : i64, scratch_operands = 4 : i64, tpu.core_type = #tpu.core_type<sc_vector_subcore>, window_params = [{transform_indices = #map}, {transform_indices = #map1}, {transform_indices = #map1}, {transform_indices = #map1}]} {
    %mul3A = arith.constant 16 : i32
    %mul3A_0 = arith.muli %arg0, %mul3A : i32
    %add3A = arith.addi %mul3A_0, %arg1 : i32
    %scan3A = arith.constant 0 : i32
    %scan3A_1 = arith.constant 0 : i32
    %scan3A_2 = arith.constant 640 : i32
    %scan3A_3 = arith.addi %scan3A_1, %scan3A_2 : i32
    %scan3A_4 = arith.constant 1 : i32
    %scan3A_5 = scf.for %scan3A_14 = %scan3A_1 to %scan3A_3 step %scan3A_4 iter_args(%scan3A_15 = %scan3A) -> (i32)  : i32 {
      %broadcast_in_dim3A = arith.constant 0.000000e+00 : f32
      %broadcast_in_dim3A_16 = vector.broadcast %broadcast_in_dim3A : f32 to vector<16xf32>
      %mul3A_17 = arith.constant 16 : i32
      %mul3A_18 = arith.muli %scan3A_14, %mul3A_17 : i32
      %swap3A = arith.index_cast %mul3A_18 : i32 to index
      %swap3A_19 = tpu.vector_load %arg7[%swap3A] {strides = array<i32>} : memref<10240xf32, #tpu.memory_space<vmem>>, vector<16xf32>,
      tpu.vector_store %arg7[%swap3A], %broadcast_in_dim3A_16 {strides = array<i32>} : memref<10240xf32, #tpu.memory_space<vmem>>, vector<16xf32>,
      %scan3A_20 = arith.constant 0 : i32
      scf.yield %scan3A_20 : i32
    }
    %scan3A_6 = arith.constant 640 : i32
    "tpu.region"() ({
      %run_scoped3A = tpu.sem_alloc : memref<!tpu.dma_semaphore, #tpu.memory_space<semaphore_mem>>
      tpu.enqueue_dma source(%arg2 : memref<10240xf32, #tpu.memory_space<hbm>>) target(%arg6 : memref<10240xf32, #tpu.memory_space<vmem>>) target_semaphore(%run_scoped3A : memref<!tpu.dma_semaphore, #tpu.memory_space<semaphore_mem>>)
      tpu.wait_dma2 semaphore(%run_scoped3A : memref<!tpu.dma_semaphore, #tpu.memory_space<semaphore_mem>>) src(%arg2 : memref<10240xf32, #tpu.memory_space<hbm>>) dst(%arg6 : memref<10240xf32, #tpu.memory_space<vmem>>)
      tpu.yield
    }) : () -> ()
    "tpu.region"() ({
      %run_scoped3A = tpu.sem_alloc : memref<!tpu.dma_semaphore, #tpu.memory_space<semaphore_mem>>
      %dma_start3A = arith.constant 0 : i32
      %dma_start3A_14 = tpu.memref_slice %arg3[%add3A, %dma_start3A] : memref<32x10000xi32, #tpu.memory_space<hbm>> -> memref<1x10000xi32, #tpu.memory_space<hbm>>
      %dma_start3A_15 = tpu.memref_squeeze %dma_start3A_14 : memref<1x10000xi32, #tpu.memory_space<hbm>> -> memref<10000xi32, #tpu.memory_space<hbm>>
      %dma_start3A_16 = arith.constant 0 : i32
      %dma_start3A_17 = tpu.memref_slice %arg3[%add3A, %dma_start3A_16] : memref<32x10000xi32, #tpu.memory_space<hbm>> -> memref<1x10000xi32, #tpu.memory_space<hbm>>
      %dma_start3A_18 = tpu.memref_squeeze %dma_start3A_17 : memref<1x10000xi32, #tpu.memory_space<hbm>> -> memref<10000xi32, #tpu.memory_space<hbm>>
      tpu.enqueue_dma source(%dma_start3A_18 : memref<10000xi32, #tpu.memory_space<hbm>>) target(%arg8 : memref<10000xi32, #tpu.memory_space<vmem>>) target_semaphore(%run_scoped3A : memref<!tpu.dma_semaphore, #tpu.memory_space<semaphore_mem>>)
      %dma_wait3A = arith.constant 0 : i32
      %dma_wait3A_19 = tpu.memref_slice %arg3[%add3A, %dma_wait3A] : memref<32x10000xi32, #tpu.memory_space<hbm>> -> memref<1x10000xi32, #tpu.memory_space<hbm>>
      %dma_wait3A_20 = tpu.memref_squeeze %dma_wait3A_19 : memref<1x10000xi32, #tpu.memory_space<hbm>> -> memref<10000xi32, #tpu.memory_space<hbm>>
      %dma_wait3A_21 = arith.constant 0 : i32
      %dma_wait3A_22 = tpu.memref_slice %arg3[%add3A, %dma_wait3A_21] : memref<32x10000xi32, #tpu.memory_space<hbm>> -> memref<1x10000xi32, #tpu.memory_space<hbm>>
      %dma_wait3A_23 = tpu.memref_squeeze %dma_wait3A_22 : memref<1x10000xi32, #tpu.memory_space<hbm>> -> memref<10000xi32, #tpu.memory_space<hbm>>
      tpu.wait_dma2 semaphore(%run_scoped3A : memref<!tpu.dma_semaphore, #tpu.memory_space<semaphore_mem>>) src(%dma_wait3A_23 : memref<10000xi32, #tpu.memory_space<hbm>>) dst(%arg8 : memref<10000xi32, #tpu.memory_space<vmem>>)
      tpu.yield
    }) : () -> ()
    "tpu.region"() ({
      %run_scoped3A = tpu.sem_alloc : memref<!tpu.dma_semaphore, #tpu.memory_space<semaphore_mem>>
      %dma_start3A = arith.constant 0 : i32
      %dma_start3A_14 = tpu.memref_slice %arg4[%add3A, %dma_start3A] : memref<32x10000xi32, #tpu.memory_space<hbm>> -> memref<1x10000xi32, #tpu.memory_space<hbm>>
      %dma_start3A_15 = tpu.memref_squeeze %dma_start3A_14 : memref<1x10000xi32, #tpu.memory_space<hbm>> -> memref<10000xi32, #tpu.memory_space<hbm>>
      %dma_start3A_16 = arith.constant 0 : i32
      %dma_start3A_17 = tpu.memref_slice %arg4[%add3A, %dma_start3A_16] : memref<32x10000xi32, #tpu.memory_space<hbm>> -> memref<1x10000xi32, #tpu.memory_space<hbm>>
      %dma_start3A_18 = tpu.memref_squeeze %dma_start3A_17 : memref<1x10000xi32, #tpu.memory_space<hbm>> -> memref<10000xi32, #tpu.memory_space<hbm>>
      tpu.enqueue_dma source(%dma_start3A_18 : memref<10000xi32, #tpu.memory_space<hbm>>) target(%arg9 : memref<10000xi32, #tpu.memory_space<vmem>>) target_semaphore(%run_scoped3A : memref<!tpu.dma_semaphore, #tpu.memory_space<semaphore_mem>>)
      %dma_wait3A = arith.constant 0 : i32
      %dma_wait3A_19 = tpu.memref_slice %arg4[%add3A, %dma_wait3A] : memref<32x10000xi32, #tpu.memory_space<hbm>> -> memref<1x10000xi32, #tpu.memory_space<hbm>>
      %dma_wait3A_20 = tpu.memref_squeeze %dma_wait3A_19 : memref<1x10000xi32, #tpu.memory_space<hbm>> -> memref<10000xi32, #tpu.memory_space<hbm>>
      %dma_wait3A_21 = arith.constant 0 : i32
      %dma_wait3A_22 = tpu.memref_slice %arg4[%add3A, %dma_wait3A_21] : memref<32x10000xi32, #tpu.memory_space<hbm>> -> memref<1x10000xi32, #tpu.memory_space<hbm>>
      %dma_wait3A_23 = tpu.memref_squeeze %dma_wait3A_22 : memref<1x10000xi32, #tpu.memory_space<hbm>> -> memref<10000xi32, #tpu.memory_space<hbm>>
      tpu.wait_dma2 semaphore(%run_scoped3A : memref<!tpu.dma_semaphore, #tpu.memory_space<semaphore_mem>>) src(%dma_wait3A_23 : memref<10000xi32, #tpu.memory_space<hbm>>) dst(%arg9 : memref<10000xi32, #tpu.memory_space<vmem>>)
      tpu.yield
    }) : () -> ()
    %scan3A_7 = arith.constant 0 : i32
    %scan3A_8 = arith.constant 0 : i32
    %scan3A_9 = arith.constant 625 : i32
    %scan3A_10 = arith.addi %scan3A_8, %scan3A_9 : i32
    %scan3A_11 = arith.constant 1 : i32
    %scan3A_12 = scf.for %scan3A_14 = %scan3A_8 to %scan3A_10 step %scan3A_11 iter_args(%scan3A_15 = %scan3A_7) -> (i32)  : i32 {
      %mul3A_16 = arith.constant 16 : i32
      %mul3A_17 = arith.muli %scan3A_14, %mul3A_16 : i32
      %get3A = arith.index_cast %mul3A_17 : i32 to index
      %get3A_18 = tpu.vector_load %arg8[%get3A] {strides = array<i32>} : memref<10000xi32, #tpu.memory_space<vmem>>, vector<16xi32>,
      %mul3A_19 = arith.constant 16 : i32
      %mul3A_20 = arith.muli %scan3A_14, %mul3A_19 : i32
      %get3A_21 = arith.index_cast %mul3A_20 : i32 to index
      %get3A_22 = tpu.vector_load %arg9[%get3A_21] {strides = array<i32>} : memref<10000xi32, #tpu.memory_space<vmem>>, vector<16xi32>,
      %gather3A = tpu.vector_load_idx %arg6[%get3A_18] : memref<10240xf32, #tpu.memory_space<vmem>>[vector<16xi32>], vector<16xf32>,
      tpu.vector_store_idx %arg7[%get3A_22], %gather3A {add = true} : memref<10240xf32, #tpu.memory_space<vmem>>[vector<16xi32>], vector<16xf32>,
      %scan3A_23 = arith.constant 0 : i32
      scf.yield %scan3A_23 : i32
    }
    %scan3A_13 = arith.constant 625 : i32
    "tpu.region"() ({
      %run_scoped3A = tpu.sem_alloc : memref<!tpu.dma_semaphore, #tpu.memory_space<semaphore_mem>>
      %dma_start3A = arith.constant 0 : i32
      %dma_start3A_14 = tpu.memref_slice %arg5[%add3A, %dma_start3A] : memref<32x10240xf32, #tpu.memory_space<hbm>> -> memref<1x10240xf32, #tpu.memory_space<hbm>>
      %dma_start3A_15 = tpu.memref_squeeze %dma_start3A_14 : memref<1x10240xf32, #tpu.memory_space<hbm>> -> memref<10240xf32, #tpu.memory_space<hbm>>
      %dma_start3A_16 = arith.constant 0 : i32
      %dma_start3A_17 = tpu.memref_slice %arg5[%add3A, %dma_start3A_16] : memref<32x10240xf32, #tpu.memory_space<hbm>> -> memref<1x10240xf32, #tpu.memory_space<hbm>>
      %dma_start3A_18 = tpu.memref_squeeze %dma_start3A_17 : memref<1x10240xf32, #tpu.memory_space<hbm>> -> memref<10240xf32, #tpu.memory_space<hbm>>
      tpu.enqueue_dma source(%arg7 : memref<10240xf32, #tpu.memory_space<vmem>>) target(%dma_start3A_18 : memref<10240xf32, #tpu.memory_space<hbm>>) target_semaphore(%run_scoped3A : memref<!tpu.dma_semaphore, #tpu.memory_space<semaphore_mem>>)
      %dma_wait3A = arith.constant 0 : i32
      %dma_wait3A_19 = tpu.memref_slice %arg5[%add3A, %dma_wait3A] : memref<32x10240xf32, #tpu.memory_space<hbm>> -> memref<1x10240xf32, #tpu.memory_space<hbm>>
      %dma_wait3A_20 = tpu.memref_squeeze %dma_wait3A_19 : memref<1x10240xf32, #tpu.memory_space<hbm>> -> memref<10240xf32, #tpu.memory_space<hbm>>
      %dma_wait3A_21 = arith.constant 0 : i32
      %dma_wait3A_22 = tpu.memref_slice %arg5[%add3A, %dma_wait3A_21] : memref<32x10240xf32, #tpu.memory_space<hbm>> -> memref<1x10240xf32, #tpu.memory_space<hbm>>
      %dma_wait3A_23 = tpu.memref_squeeze %dma_wait3A_22 : memref<1x10240xf32, #tpu.memory_space<hbm>> -> memref<10240xf32, #tpu.memory_space<hbm>>
      tpu.wait_dma2 semaphore(%run_scoped3A : memref<!tpu.dma_semaphore, #tpu.memory_space<semaphore_mem>>) src(%arg7 : memref<10240xf32, #tpu.memory_space<vmem>>) dst(%dma_wait3A_23 : memref<10240xf32, #tpu.memory_space<hbm>>)
      tpu.yield
    }) : () -> ()
    return
  }
}

#map = affine_map<(d0, d1) -> (0, 0)>
#map1 = affine_map<(d0, d1) -> (0, 0, 0)>
#map2 = affine_map<(d0, d1) -> (0)>
module attributes {stable_mosaic.version = 14 : i64} {
  func.func @_sc1_body(%arg0: i32, %arg1: i32, %arg2: memref<10240x32xf32, #tpu.memory_space<hbm>>, %arg3: memref<32x80x125xi32, #tpu.memory_space<hbm>>, %arg4: memref<32x80x125xi32, #tpu.memory_space<hbm>>, %arg5: memref<10240x32xf32, #tpu.memory_space<hbm>>, %arg6: memref<10240x32xf32, #tpu.memory_space<hbm>>, %arg7: memref<10240xf32, #tpu.memory_space<hbm>>, %arg8: memref<10240xf32, #tpu.memory_space<hbm>>, %arg9: memref<80x125xi32, #tpu.memory_space<vmem>>, %arg10: memref<80x125xi32, #tpu.memory_space<vmem>>, %arg11: memref<8x125x32xf32, #tpu.memory_space<vmem>>, %arg12: memref<640x32xf32, #tpu.memory_space<vmem>>, %arg13: memref<640xf32, #tpu.memory_space<vmem>>, %arg14: memref<128xf32, #tpu.memory_space<vmem>>, %arg15: memref<10240x32xf32, #tpu.memory_space<vmem_shared>>, %arg16: memref<10240xf32, #tpu.memory_space<vmem_shared>>, %arg17: memref<10240x32xf32, #tpu.memory_space<vmem_shared>>, %arg18: memref<!tpu.dma_semaphore, #tpu.memory_space<semaphore_mem>>, %arg19: memref<!tpu.dma_semaphore, #tpu.memory_space<semaphore_mem>>) attributes {dimension_semantics = [#tpu.dimension_semantics<core_parallel>, #tpu.dimension_semantics<subcore_parallel>], iteration_bounds = array<i64: 2, 16>, scalar_prefetch = 0 : i64, scratch_operands = 11 : i64, tpu.core_type = #tpu.core_type<sc_vector_subcore>, window_params = [{transform_indices = #map}, {transform_indices = #map1}, {transform_indices = #map1}, {transform_indices = #map}, {transform_indices = #map}, {transform_indices = #map2}, {transform_indices = #map2}]} {
    %mul3A = arith.constant 16 : i32
    %mul3A_0 = arith.muli %arg0, %mul3A : i32
    %add3A = arith.addi %mul3A_0, %arg1 : i32
    %scan3A = arith.constant 0 : i32
    %scan3A_1 = arith.constant 0 : i32
    %scan3A_2 = arith.constant 640 : i32
    %scan3A_3 = arith.addi %scan3A_1, %scan3A_2 : i32
    %scan3A_4 = arith.constant 1 : i32
    %scan3A_5 = scf.for %scan3A_61 = %scan3A_1 to %scan3A_3 step %scan3A_4 iter_args(%scan3A_62 = %scan3A) -> (i32)  : i32 {
      %broadcast_in_dim3A_63 = arith.constant 0.000000e+00 : f32
      %broadcast_in_dim3A_64 = vector.broadcast %broadcast_in_dim3A_63 : f32 to vector<16xf32>
      %swap3A_65 = arith.index_cast %scan3A_61 : i32 to index
      %swap3A_66 = arith.constant 0 : index
      %swap3A_67 = tpu.vector_load %arg12[%swap3A_65, %swap3A_66] {strides = array<i32>} : memref<640x32xf32, #tpu.memory_space<vmem>>, vector<16xf32>,
      tpu.vector_store %arg12[%swap3A_65, %swap3A_66], %broadcast_in_dim3A_64 {strides = array<i32>} : memref<640x32xf32, #tpu.memory_space<vmem>>, vector<16xf32>,
      %broadcast_in_dim3A_68 = arith.constant 0.000000e+00 : f32
      %broadcast_in_dim3A_69 = vector.broadcast %broadcast_in_dim3A_68 : f32 to vector<16xf32>
      %swap3A_70 = arith.index_cast %scan3A_61 : i32 to index
      %swap3A_71 = arith.constant 16 : index
      %swap3A_72 = tpu.vector_load %arg12[%swap3A_70, %swap3A_71] {strides = array<i32>} : memref<640x32xf32, #tpu.memory_space<vmem>>, vector<16xf32>,
      tpu.vector_store %arg12[%swap3A_70, %swap3A_71], %broadcast_in_dim3A_69 {strides = array<i32>} : memref<640x32xf32, #tpu.memory_space<vmem>>, vector<16xf32>,
      %scan3A_73 = arith.constant 0 : i32
      scf.yield %scan3A_73 : i32
    }
    %scan3A_6 = arith.constant 640 : i32
    %scan3A_7 = arith.constant 0 : i32
    %scan3A_8 = arith.constant 0 : i32
    %scan3A_9 = arith.constant 40 : i32
    %scan3A_10 = arith.addi %scan3A_8, %scan3A_9 : i32
    %scan3A_11 = arith.constant 1 : i32
    %scan3A_12 = scf.for %scan3A_61 = %scan3A_8 to %scan3A_10 step %scan3A_11 iter_args(%scan3A_62 = %scan3A_7) -> (i32)  : i32 {
      %broadcast_in_dim3A_63 = arith.constant 0.000000e+00 : f32
      %broadcast_in_dim3A_64 = vector.broadcast %broadcast_in_dim3A_63 : f32 to vector<16xf32>
      %mul3A_65 = arith.constant 16 : i32
      %mul3A_66 = arith.muli %scan3A_61, %mul3A_65 : i32
      %swap3A_67 = arith.index_cast %mul3A_66 : i32 to index
      %swap3A_68 = tpu.vector_load %arg13[%swap3A_67] {strides = array<i32>} : memref<640xf32, #tpu.memory_space<vmem>>, vector<16xf32>,
      tpu.vector_store %arg13[%swap3A_67], %broadcast_in_dim3A_64 {strides = array<i32>} : memref<640xf32, #tpu.memory_space<vmem>>, vector<16xf32>,
      %scan3A_69 = arith.constant 0 : i32
      scf.yield %scan3A_69 : i32
    }
    %scan3A_13 = arith.constant 40 : i32
    %broadcast_in_dim3A = arith.constant 1.000000e+00 : f32
    %broadcast_in_dim3A_14 = vector.broadcast %broadcast_in_dim3A : f32 to vector<16xf32>
    %swap3A = arith.constant 0 : index
    %swap3A_15 = tpu.vector_load %arg14[%swap3A] {strides = array<i32>} : memref<128xf32, #tpu.memory_space<vmem>>, vector<16xf32>,
    tpu.vector_store %arg14[%swap3A], %broadcast_in_dim3A_14 {strides = array<i32>} : memref<128xf32, #tpu.memory_space<vmem>>, vector<16xf32>,
    %broadcast_in_dim3A_16 = arith.constant 1.000000e+00 : f32
    %broadcast_in_dim3A_17 = vector.broadcast %broadcast_in_dim3A_16 : f32 to vector<16xf32>
    %swap3A_18 = arith.constant 16 : index
    %swap3A_19 = tpu.vector_load %arg14[%swap3A_18] {strides = array<i32>} : memref<128xf32, #tpu.memory_space<vmem>>, vector<16xf32>,
    tpu.vector_store %arg14[%swap3A_18], %broadcast_in_dim3A_17 {strides = array<i32>} : memref<128xf32, #tpu.memory_space<vmem>>, vector<16xf32>,
    %broadcast_in_dim3A_20 = arith.constant 1.000000e+00 : f32
    %broadcast_in_dim3A_21 = vector.broadcast %broadcast_in_dim3A_20 : f32 to vector<16xf32>
    %swap3A_22 = arith.constant 32 : index
    %swap3A_23 = tpu.vector_load %arg14[%swap3A_22] {strides = array<i32>} : memref<128xf32, #tpu.memory_space<vmem>>, vector<16xf32>,
    tpu.vector_store %arg14[%swap3A_22], %broadcast_in_dim3A_21 {strides = array<i32>} : memref<128xf32, #tpu.memory_space<vmem>>, vector<16xf32>,
    %broadcast_in_dim3A_24 = arith.constant 1.000000e+00 : f32
    %broadcast_in_dim3A_25 = vector.broadcast %broadcast_in_dim3A_24 : f32 to vector<16xf32>
    %swap3A_26 = arith.constant 48 : index
    %swap3A_27 = tpu.vector_load %arg14[%swap3A_26] {strides = array<i32>} : memref<128xf32, #tpu.memory_space<vmem>>, vector<16xf32>,
    tpu.vector_store %arg14[%swap3A_26], %broadcast_in_dim3A_25 {strides = array<i32>} : memref<128xf32, #tpu.memory_space<vmem>>, vector<16xf32>,
    %broadcast_in_dim3A_28 = arith.constant 1.000000e+00 : f32
    %broadcast_in_dim3A_29 = vector.broadcast %broadcast_in_dim3A_28 : f32 to vector<16xf32>
    %swap3A_30 = arith.constant 64 : index
    %swap3A_31 = tpu.vector_load %arg14[%swap3A_30] {strides = array<i32>} : memref<128xf32, #tpu.memory_space<vmem>>, vector<16xf32>,
    tpu.vector_store %arg14[%swap3A_30], %broadcast_in_dim3A_29 {strides = array<i32>} : memref<128xf32, #tpu.memory_space<vmem>>, vector<16xf32>,
    %broadcast_in_dim3A_32 = arith.constant 1.000000e+00 : f32
    %broadcast_in_dim3A_33 = vector.broadcast %broadcast_in_dim3A_32 : f32 to vector<16xf32>
    %swap3A_34 = arith.constant 80 : index
    %swap3A_35 = tpu.vector_load %arg14[%swap3A_34] {strides = array<i32>} : memref<128xf32, #tpu.memory_space<vmem>>, vector<16xf32>,
    tpu.vector_store %arg14[%swap3A_34], %broadcast_in_dim3A_33 {strides = array<i32>} : memref<128xf32, #tpu.memory_space<vmem>>, vector<16xf32>,
    %broadcast_in_dim3A_36 = arith.constant 1.000000e+00 : f32
    %broadcast_in_dim3A_37 = vector.broadcast %broadcast_in_dim3A_36 : f32 to vector<16xf32>
    %swap3A_38 = arith.constant 96 : index
    %swap3A_39 = tpu.vector_load %arg14[%swap3A_38] {strides = array<i32>} : memref<128xf32, #tpu.memory_space<vmem>>, vector<16xf32>,
    tpu.vector_store %arg14[%swap3A_38], %broadcast_in_dim3A_37 {strides = array<i32>} : memref<128xf32, #tpu.memory_space<vmem>>, vector<16xf32>,
    %broadcast_in_dim3A_40 = arith.constant 1.000000e+00 : f32
    %broadcast_in_dim3A_41 = vector.broadcast %broadcast_in_dim3A_40 : f32 to vector<16xf32>
    %swap3A_42 = arith.constant 112 : index
    %swap3A_43 = tpu.vector_load %arg14[%swap3A_42] {strides = array<i32>} : memref<128xf32, #tpu.memory_space<vmem>>, vector<16xf32>,
    tpu.vector_store %arg14[%swap3A_42], %broadcast_in_dim3A_41 {strides = array<i32>} : memref<128xf32, #tpu.memory_space<vmem>>, vector<16xf32>,
    %mul3A_44 = arith.constant 640 : i32
    %mul3A_45 = arith.muli %arg1, %mul3A_44 : i32
    "tpu.region"() ({
      %run_scoped3A = tpu.sem_alloc : memref<!tpu.dma_semaphore, #tpu.memory_space<semaphore_mem>>
      %dma_start3A = arith.constant 0 : i32
      %dma_start3A_61 = tpu.memref_slice %arg15[%mul3A_45, %dma_start3A] : memref<10240x32xf32, #tpu.memory_space<vmem_shared>> -> memref<640x32xf32, #tpu.memory_space<vmem_shared>>
      %dma_start3A_62 = arith.constant 0 : i32
      %dma_start3A_63 = tpu.memref_slice %arg15[%mul3A_45, %dma_start3A_62] : memref<10240x32xf32, #tpu.memory_space<vmem_shared>> -> memref<640x32xf32, #tpu.memory_space<vmem_shared>>
      tpu.enqueue_dma source(%arg12 : memref<640x32xf32, #tpu.memory_space<vmem>>) target(%dma_start3A_63 : memref<640x32xf32, #tpu.memory_space<vmem_shared>>) target_semaphore(%run_scoped3A : memref<!tpu.dma_semaphore, #tpu.memory_space<semaphore_mem>>)
      %dma_wait3A = arith.constant 0 : i32
      %dma_wait3A_64 = tpu.memref_slice %arg15[%mul3A_45, %dma_wait3A] : memref<10240x32xf32, #tpu.memory_space<vmem_shared>> -> memref<640x32xf32, #tpu.memory_space<vmem_shared>>
      %dma_wait3A_65 = arith.constant 0 : i32
      %dma_wait3A_66 = tpu.memref_slice %arg15[%mul3A_45, %dma_wait3A_65] : memref<10240x32xf32, #tpu.memory_space<vmem_shared>> -> memref<640x32xf32, #tpu.memory_space<vmem_shared>>
      tpu.wait_dma2 semaphore(%run_scoped3A : memref<!tpu.dma_semaphore, #tpu.memory_space<semaphore_mem>>) src(%arg12 : memref<640x32xf32, #tpu.memory_space<vmem>>) dst(%dma_wait3A_66 : memref<640x32xf32, #tpu.memory_space<vmem_shared>>)
      tpu.yield
    }) : () -> ()
    "tpu.region"() ({
      %run_scoped3A = tpu.sem_alloc : memref<!tpu.dma_semaphore, #tpu.memory_space<semaphore_mem>>
      %dma_start3A = tpu.memref_slice %arg16[%mul3A_45] : memref<10240xf32, #tpu.memory_space<vmem_shared>> -> memref<640xf32, #tpu.memory_space<vmem_shared>>
      %dma_start3A_61 = tpu.memref_slice %arg16[%mul3A_45] : memref<10240xf32, #tpu.memory_space<vmem_shared>> -> memref<640xf32, #tpu.memory_space<vmem_shared>>
      tpu.enqueue_dma source(%arg13 : memref<640xf32, #tpu.memory_space<vmem>>) target(%dma_start3A_61 : memref<640xf32, #tpu.memory_space<vmem_shared>>) target_semaphore(%run_scoped3A : memref<!tpu.dma_semaphore, #tpu.memory_space<semaphore_mem>>)
      %dma_wait3A = tpu.memref_slice %arg16[%mul3A_45] : memref<10240xf32, #tpu.memory_space<vmem_shared>> -> memref<640xf32, #tpu.memory_space<vmem_shared>>
      %dma_wait3A_62 = tpu.memref_slice %arg16[%mul3A_45] : memref<10240xf32, #tpu.memory_space<vmem_shared>> -> memref<640xf32, #tpu.memory_space<vmem_shared>>
      tpu.wait_dma2 semaphore(%run_scoped3A : memref<!tpu.dma_semaphore, #tpu.memory_space<semaphore_mem>>) src(%arg13 : memref<640xf32, #tpu.memory_space<vmem>>) dst(%dma_wait3A_62 : memref<640xf32, #tpu.memory_space<vmem_shared>>)
      tpu.yield
    }) : () -> ()
    "tpu.region"() ({
      %run_scoped3A = tpu.sem_alloc : memref<!tpu.dma_semaphore, #tpu.memory_space<semaphore_mem>>
      %dma_start3A = arith.constant 0 : i32
      %dma_start3A_61 = tpu.memref_slice %arg17[%mul3A_45, %dma_start3A] : memref<10240x32xf32, #tpu.memory_space<vmem_shared>> -> memref<640x32xf32, #tpu.memory_space<vmem_shared>>
      %dma_start3A_62 = arith.constant 0 : i32
      %dma_start3A_63 = tpu.memref_slice %arg2[%mul3A_45, %dma_start3A_62] : memref<10240x32xf32, #tpu.memory_space<hbm>> -> memref<640x32xf32, #tpu.memory_space<hbm>>
      tpu.enqueue_dma source(%dma_start3A_63 : memref<640x32xf32, #tpu.memory_space<hbm>>) target(%dma_start3A_61 : memref<640x32xf32, #tpu.memory_space<vmem_shared>>) target_semaphore(%run_scoped3A : memref<!tpu.dma_semaphore, #tpu.memory_space<semaphore_mem>>)
      %dma_wait3A = arith.constant 0 : i32
      %dma_wait3A_64 = tpu.memref_slice %arg17[%mul3A_45, %dma_wait3A] : memref<10240x32xf32, #tpu.memory_space<vmem_shared>> -> memref<640x32xf32, #tpu.memory_space<vmem_shared>>
      %dma_wait3A_65 = arith.constant 0 : i32
      %dma_wait3A_66 = tpu.memref_slice %arg2[%mul3A_45, %dma_wait3A_65] : memref<10240x32xf32, #tpu.memory_space<hbm>> -> memref<640x32xf32, #tpu.memory_space<hbm>>
      tpu.wait_dma2 semaphore(%run_scoped3A : memref<!tpu.dma_semaphore, #tpu.memory_space<semaphore_mem>>) src(%dma_wait3A_66 : memref<640x32xf32, #tpu.memory_space<hbm>>) dst(%dma_wait3A_64 : memref<640x32xf32, #tpu.memory_space<vmem_shared>>)
      tpu.yield
    }) : () -> ()
    "tpu.region"() ({
      %run_scoped3A = tpu.sem_alloc : memref<!tpu.dma_semaphore, #tpu.memory_space<semaphore_mem>>
      %dma_start3A = arith.constant 0 : i32
      %dma_start3A_61 = arith.constant 0 : i32
      %dma_start3A_62 = tpu.memref_slice %arg3[%add3A, %dma_start3A, %dma_start3A_61] : memref<32x80x125xi32, #tpu.memory_space<hbm>> -> memref<1x80x125xi32, #tpu.memory_space<hbm>>
      %dma_start3A_63 = tpu.memref_squeeze %dma_start3A_62 : memref<1x80x125xi32, #tpu.memory_space<hbm>> -> memref<80x125xi32, #tpu.memory_space<hbm>>
      %dma_start3A_64 = arith.constant 0 : i32
      %dma_start3A_65 = arith.constant 0 : i32
      %dma_start3A_66 = tpu.memref_slice %arg3[%add3A, %dma_start3A_64, %dma_start3A_65] : memref<32x80x125xi32, #tpu.memory_space<hbm>> -> memref<1x80x125xi32, #tpu.memory_space<hbm>>
      %dma_start3A_67 = tpu.memref_squeeze %dma_start3A_66 : memref<1x80x125xi32, #tpu.memory_space<hbm>> -> memref<80x125xi32, #tpu.memory_space<hbm>>
      tpu.enqueue_dma source(%dma_start3A_67 : memref<80x125xi32, #tpu.memory_space<hbm>>) target(%arg9 : memref<80x125xi32, #tpu.memory_space<vmem>>) target_semaphore(%run_scoped3A : memref<!tpu.dma_semaphore, #tpu.memory_space<semaphore_mem>>)
      %dma_wait3A = arith.constant 0 : i32
      %dma_wait3A_68 = arith.constant 0 : i32
      %dma_wait3A_69 = tpu.memref_slice %arg3[%add3A, %dma_wait3A, %dma_wait3A_68] : memref<32x80x125xi32, #tpu.memory_space<hbm>> -> memref<1x80x125xi32, #tpu.memory_space<hbm>>
      %dma_wait3A_70 = tpu.memref_squeeze %dma_wait3A_69 : memref<1x80x125xi32, #tpu.memory_space<hbm>> -> memref<80x125xi32, #tpu.memory_space<hbm>>
      %dma_wait3A_71 = arith.constant 0 : i32
      %dma_wait3A_72 = arith.constant 0 : i32
      %dma_wait3A_73 = tpu.memref_slice %arg3[%add3A, %dma_wait3A_71, %dma_wait3A_72] : memref<32x80x125xi32, #tpu.memory_space<hbm>> -> memref<1x80x125xi32, #tpu.memory_space<hbm>>
      %dma_wait3A_74 = tpu.memref_squeeze %dma_wait3A_73 : memref<1x80x125xi32, #tpu.memory_space<hbm>> -> memref<80x125xi32, #tpu.memory_space<hbm>>
      tpu.wait_dma2 semaphore(%run_scoped3A : memref<!tpu.dma_semaphore, #tpu.memory_space<semaphore_mem>>) src(%dma_wait3A_74 : memref<80x125xi32, #tpu.memory_space<hbm>>) dst(%arg9 : memref<80x125xi32, #tpu.memory_space<vmem>>)
      tpu.yield
    }) : () -> ()
    "tpu.region"() ({
      %run_scoped3A = tpu.sem_alloc : memref<!tpu.dma_semaphore, #tpu.memory_space<semaphore_mem>>
      %dma_start3A = arith.constant 0 : i32
      %dma_start3A_61 = arith.constant 0 : i32
      %dma_start3A_62 = tpu.memref_slice %arg4[%add3A, %dma_start3A, %dma_start3A_61] : memref<32x80x125xi32, #tpu.memory_space<hbm>> -> memref<1x80x125xi32, #tpu.memory_space<hbm>>
      %dma_start3A_63 = tpu.memref_squeeze %dma_start3A_62 : memref<1x80x125xi32, #tpu.memory_space<hbm>> -> memref<80x125xi32, #tpu.memory_space<hbm>>
      %dma_start3A_64 = arith.constant 0 : i32
      %dma_start3A_65 = arith.constant 0 : i32
      %dma_start3A_66 = tpu.memref_slice %arg4[%add3A, %dma_start3A_64, %dma_start3A_65] : memref<32x80x125xi32, #tpu.memory_space<hbm>> -> memref<1x80x125xi32, #tpu.memory_space<hbm>>
      %dma_start3A_67 = tpu.memref_squeeze %dma_start3A_66 : memref<1x80x125xi32, #tpu.memory_space<hbm>> -> memref<80x125xi32, #tpu.memory_space<hbm>>
      tpu.enqueue_dma source(%dma_start3A_67 : memref<80x125xi32, #tpu.memory_space<hbm>>) target(%arg10 : memref<80x125xi32, #tpu.memory_space<vmem>>) target_semaphore(%run_scoped3A : memref<!tpu.dma_semaphore, #tpu.memory_space<semaphore_mem>>)
      %dma_wait3A = arith.constant 0 : i32
      %dma_wait3A_68 = arith.constant 0 : i32
      %dma_wait3A_69 = tpu.memref_slice %arg4[%add3A, %dma_wait3A, %dma_wait3A_68] : memref<32x80x125xi32, #tpu.memory_space<hbm>> -> memref<1x80x125xi32, #tpu.memory_space<hbm>>
      %dma_wait3A_70 = tpu.memref_squeeze %dma_wait3A_69 : memref<1x80x125xi32, #tpu.memory_space<hbm>> -> memref<80x125xi32, #tpu.memory_space<hbm>>
      %dma_wait3A_71 = arith.constant 0 : i32
      %dma_wait3A_72 = arith.constant 0 : i32
      %dma_wait3A_73 = tpu.memref_slice %arg4[%add3A, %dma_wait3A_71, %dma_wait3A_72] : memref<32x80x125xi32, #tpu.memory_space<hbm>> -> memref<1x80x125xi32, #tpu.memory_space<hbm>>
      %dma_wait3A_74 = tpu.memref_squeeze %dma_wait3A_73 : memref<1x80x125xi32, #tpu.memory_space<hbm>> -> memref<80x125xi32, #tpu.memory_space<hbm>>
      tpu.wait_dma2 semaphore(%run_scoped3A : memref<!tpu.dma_semaphore, #tpu.memory_space<semaphore_mem>>) src(%dma_wait3A_74 : memref<80x125xi32, #tpu.memory_space<hbm>>) dst(%arg10 : memref<80x125xi32, #tpu.memory_space<vmem>>)
      tpu.yield
    }) : () -> ()
    %barrier3A = arith.constant 0 : index
    tpu.barrier barrier_id(%barrier3A)
    %scan3A_46 = arith.constant 0 : i32
    %scan3A_47 = arith.constant 0 : i32
    %scan3A_48 = arith.constant 10 : i32
    %scan3A_49 = arith.addi %scan3A_47, %scan3A_48 : i32
    %scan3A_50 = arith.constant 1 : i32
    %scan3A_51 = scf.for %scan3A_61 = %scan3A_47 to %scan3A_49 step %scan3A_50 iter_args(%scan3A_62 = %scan3A_46) -> (i32)  : i32 {
      %mul3A_63 = arith.constant 8 : i32
      %mul3A_64 = arith.muli %scan3A_61, %mul3A_63 : i32
      %add3A_65 = arith.constant 0 : i32
      %add3A_66 = arith.addi %mul3A_64, %add3A_65 : i32
      %dma_start3A = arith.constant 0 : i32
      %dma_start3A_67 = arith.constant 0 : i32
      %dma_start3A_68 = arith.constant 0 : i32
      %dma_start3A_69 = tpu.memref_slice %arg11[%dma_start3A, %dma_start3A_67, %dma_start3A_68] : memref<8x125x32xf32, #tpu.memory_space<vmem>> -> memref<1x125x32xf32, #tpu.memory_space<vmem>>
      %dma_start3A_70 = tpu.memref_squeeze %dma_start3A_69 : memref<1x125x32xf32, #tpu.memory_space<vmem>> -> memref<125x32xf32, #tpu.memory_space<vmem>>
      %dma_start3A_71 = arith.constant 0 : i32
      %dma_start3A_72 = tpu.memref_slice %arg9[%add3A_66, %dma_start3A_71] : memref<80x125xi32, #tpu.memory_space<vmem>> -> memref<1x125xi32, #tpu.memory_space<vmem>>
      %dma_start3A_73 = tpu.memref_squeeze %dma_start3A_72 : memref<1x125xi32, #tpu.memory_space<vmem>> -> memref<125xi32, #tpu.memory_space<vmem>>
      %dma_start3A_74 = arith.constant 0 : i32
      %dma_start3A_75 = arith.constant 0 : i32
      %dma_start3A_76 = tpu.memref_slice %arg17[%dma_start3A_74, %dma_start3A_75] : memref<10240x32xf32, #tpu.memory_space<vmem_shared>> -> memref<10240x32xf32, #tpu.memory_space<vmem_shared>>
      tpu.enqueue_indirect_dma source(%dma_start3A_76 : memref<10240x32xf32, #tpu.memory_space<vmem_shared>>) target(%dma_start3A_70 : memref<125x32xf32, #tpu.memory_space<vmem>>) offsets(%dma_start3A_73 : memref<125xi32, #tpu.memory_space<vmem>>) semaphore(%arg18 : memref<!tpu.dma_semaphore, #tpu.memory_space<semaphore_mem>>)
      %add3A_77 = arith.constant 1 : i32
      %add3A_78 = arith.addi %mul3A_64, %add3A_77 : i32
      %dma_start3A_79 = arith.constant 1 : i32
      %dma_start3A_80 = arith.constant 0 : i32
      %dma_start3A_81 = arith.constant 0 : i32
      %dma_start3A_82 = tpu.memref_slice %arg11[%dma_start3A_79, %dma_start3A_80, %dma_start3A_81] : memref<8x125x32xf32, #tpu.memory_space<vmem>> -> memref<1x125x32xf32, #tpu.memory_space<vmem>>
      %dma_start3A_83 = tpu.memref_squeeze %dma_start3A_82 : memref<1x125x32xf32, #tpu.memory_space<vmem>> -> memref<125x32xf32, #tpu.memory_space<vmem>>
      %dma_start3A_84 = arith.constant 0 : i32
      %dma_start3A_85 = tpu.memref_slice %arg9[%add3A_78, %dma_start3A_84] : memref<80x125xi32, #tpu.memory_space<vmem>> -> memref<1x125xi32, #tpu.memory_space<vmem>>
      %dma_start3A_86 = tpu.memref_squeeze %dma_start3A_85 : memref<1x125xi32, #tpu.memory_space<vmem>> -> memref<125xi32, #tpu.memory_space<vmem>>
      %dma_start3A_87 = arith.constant 0 : i32
      %dma_start3A_88 = arith.constant 0 : i32
      %dma_start3A_89 = tpu.memref_slice %arg17[%dma_start3A_87, %dma_start3A_88] : memref<10240x32xf32, #tpu.memory_space<vmem_shared>> -> memref<10240x32xf32, #tpu.memory_space<vmem_shared>>
      tpu.enqueue_indirect_dma source(%dma_start3A_89 : memref<10240x32xf32, #tpu.memory_space<vmem_shared>>) target(%dma_start3A_83 : memref<125x32xf32, #tpu.memory_space<vmem>>) offsets(%dma_start3A_86 : memref<125xi32, #tpu.memory_space<vmem>>) semaphore(%arg18 : memref<!tpu.dma_semaphore, #tpu.memory_space<semaphore_mem>>)
      %add3A_90 = arith.constant 2 : i32
      %add3A_91 = arith.addi %mul3A_64, %add3A_90 : i32
      %dma_start3A_92 = arith.constant 2 : i32
      %dma_start3A_93 = arith.constant 0 : i32
      %dma_start3A_94 = arith.constant 0 : i32
      %dma_start3A_95 = tpu.memref_slice %arg11[%dma_start3A_92, %dma_start3A_93, %dma_start3A_94] : memref<8x125x32xf32, #tpu.memory_space<vmem>> -> memref<1x125x32xf32, #tpu.memory_space<vmem>>
      %dma_start3A_96 = tpu.memref_squeeze %dma_start3A_95 : memref<1x125x32xf32, #tpu.memory_space<vmem>> -> memref<125x32xf32, #tpu.memory_space<vmem>>
      %dma_start3A_97 = arith.constant 0 : i32
      %dma_start3A_98 = tpu.memref_slice %arg9[%add3A_91, %dma_start3A_97] : memref<80x125xi32, #tpu.memory_space<vmem>> -> memref<1x125xi32, #tpu.memory_space<vmem>>
      %dma_start3A_99 = tpu.memref_squeeze %dma_start3A_98 : memref<1x125xi32, #tpu.memory_space<vmem>> -> memref<125xi32, #tpu.memory_space<vmem>>
      %dma_start3A_100 = arith.constant 0 : i32
      %dma_start3A_101 = arith.constant 0 : i32
      %dma_start3A_102 = tpu.memref_slice %arg17[%dma_start3A_100, %dma_start3A_101] : memref<10240x32xf32, #tpu.memory_space<vmem_shared>> -> memref<10240x32xf32, #tpu.memory_space<vmem_shared>>
      tpu.enqueue_indirect_dma source(%dma_start3A_102 : memref<10240x32xf32, #tpu.memory_space<vmem_shared>>) target(%dma_start3A_96 : memref<125x32xf32, #tpu.memory_space<vmem>>) offsets(%dma_start3A_99 : memref<125xi32, #tpu.memory_space<vmem>>) semaphore(%arg18 : memref<!tpu.dma_semaphore, #tpu.memory_space<semaphore_mem>>)
      %add3A_103 = arith.constant 3 : i32
      %add3A_104 = arith.addi %mul3A_64, %add3A_103 : i32
      %dma_start3A_105 = arith.constant 3 : i32
      %dma_start3A_106 = arith.constant 0 : i32
      %dma_start3A_107 = arith.constant 0 : i32
      %dma_start3A_108 = tpu.memref_slice %arg11[%dma_start3A_105, %dma_start3A_106, %dma_start3A_107] : memref<8x125x32xf32, #tpu.memory_space<vmem>> -> memref<1x125x32xf32, #tpu.memory_space<vmem>>
      %dma_start3A_109 = tpu.memref_squeeze %dma_start3A_108 : memref<1x125x32xf32, #tpu.memory_space<vmem>> -> memref<125x32xf32, #tpu.memory_space<vmem>>
      %dma_start3A_110 = arith.constant 0 : i32
      %dma_start3A_111 = tpu.memref_slice %arg9[%add3A_104, %dma_start3A_110] : memref<80x125xi32, #tpu.memory_space<vmem>> -> memref<1x125xi32, #tpu.memory_space<vmem>>
      %dma_start3A_112 = tpu.memref_squeeze %dma_start3A_111 : memref<1x125xi32, #tpu.memory_space<vmem>> -> memref<125xi32, #tpu.memory_space<vmem>>
      %dma_start3A_113 = arith.constant 0 : i32
      %dma_start3A_114 = arith.constant 0 : i32
      %dma_start3A_115 = tpu.memref_slice %arg17[%dma_start3A_113, %dma_start3A_114] : memref<10240x32xf32, #tpu.memory_space<vmem_shared>> -> memref<10240x32xf32, #tpu.memory_space<vmem_shared>>
      tpu.enqueue_indirect_dma source(%dma_start3A_115 : memref<10240x32xf32, #tpu.memory_space<vmem_shared>>) target(%dma_start3A_109 : memref<125x32xf32, #tpu.memory_space<vmem>>) offsets(%dma_start3A_112 : memref<125xi32, #tpu.memory_space<vmem>>) semaphore(%arg18 : memref<!tpu.dma_semaphore, #tpu.memory_space<semaphore_mem>>)
      %add3A_116 = arith.constant 4 : i32
      %add3A_117 = arith.addi %mul3A_64, %add3A_116 : i32
      %dma_start3A_118 = arith.constant 4 : i32
      %dma_start3A_119 = arith.constant 0 : i32
      %dma_start3A_120 = arith.constant 0 : i32
      %dma_start3A_121 = tpu.memref_slice %arg11[%dma_start3A_118, %dma_start3A_119, %dma_start3A_120] : memref<8x125x32xf32, #tpu.memory_space<vmem>> -> memref<1x125x32xf32, #tpu.memory_space<vmem>>
      %dma_start3A_122 = tpu.memref_squeeze %dma_start3A_121 : memref<1x125x32xf32, #tpu.memory_space<vmem>> -> memref<125x32xf32, #tpu.memory_space<vmem>>
      %dma_start3A_123 = arith.constant 0 : i32
      %dma_start3A_124 = tpu.memref_slice %arg9[%add3A_117, %dma_start3A_123] : memref<80x125xi32, #tpu.memory_space<vmem>> -> memref<1x125xi32, #tpu.memory_space<vmem>>
      %dma_start3A_125 = tpu.memref_squeeze %dma_start3A_124 : memref<1x125xi32, #tpu.memory_space<vmem>> -> memref<125xi32, #tpu.memory_space<vmem>>
      %dma_start3A_126 = arith.constant 0 : i32
      %dma_start3A_127 = arith.constant 0 : i32
      %dma_start3A_128 = tpu.memref_slice %arg17[%dma_start3A_126, %dma_start3A_127] : memref<10240x32xf32, #tpu.memory_space<vmem_shared>> -> memref<10240x32xf32, #tpu.memory_space<vmem_shared>>
      tpu.enqueue_indirect_dma source(%dma_start3A_128 : memref<10240x32xf32, #tpu.memory_space<vmem_shared>>) target(%dma_start3A_122 : memref<125x32xf32, #tpu.memory_space<vmem>>) offsets(%dma_start3A_125 : memref<125xi32, #tpu.memory_space<vmem>>) semaphore(%arg18 : memref<!tpu.dma_semaphore, #tpu.memory_space<semaphore_mem>>)
      %add3A_129 = arith.constant 5 : i32
      %add3A_130 = arith.addi %mul3A_64, %add3A_129 : i32
      %dma_start3A_131 = arith.constant 5 : i32
      %dma_start3A_132 = arith.constant 0 : i32
      %dma_start3A_133 = arith.constant 0 : i32
      %dma_start3A_134 = tpu.memref_slice %arg11[%dma_start3A_131, %dma_start3A_132, %dma_start3A_133] : memref<8x125x32xf32, #tpu.memory_space<vmem>> -> memref<1x125x32xf32, #tpu.memory_space<vmem>>
      %dma_start3A_135 = tpu.memref_squeeze %dma_start3A_134 : memref<1x125x32xf32, #tpu.memory_space<vmem>> -> memref<125x32xf32, #tpu.memory_space<vmem>>
      %dma_start3A_136 = arith.constant 0 : i32
      %dma_start3A_137 = tpu.memref_slice %arg9[%add3A_130, %dma_start3A_136] : memref<80x125xi32, #tpu.memory_space<vmem>> -> memref<1x125xi32, #tpu.memory_space<vmem>>
      %dma_start3A_138 = tpu.memref_squeeze %dma_start3A_137 : memref<1x125xi32, #tpu.memory_space<vmem>> -> memref<125xi32, #tpu.memory_space<vmem>>
      %dma_start3A_139 = arith.constant 0 : i32
      %dma_start3A_140 = arith.constant 0 : i32
      %dma_start3A_141 = tpu.memref_slice %arg17[%dma_start3A_139, %dma_start3A_140] : memref<10240x32xf32, #tpu.memory_space<vmem_shared>> -> memref<10240x32xf32, #tpu.memory_space<vmem_shared>>
      tpu.enqueue_indirect_dma source(%dma_start3A_141 : memref<10240x32xf32, #tpu.memory_space<vmem_shared>>) target(%dma_start3A_135 : memref<125x32xf32, #tpu.memory_space<vmem>>) offsets(%dma_start3A_138 : memref<125xi32, #tpu.memory_space<vmem>>) semaphore(%arg18 : memref<!tpu.dma_semaphore, #tpu.memory_space<semaphore_mem>>)
      %add3A_142 = arith.constant 6 : i32
      %add3A_143 = arith.addi %mul3A_64, %add3A_142 : i32
      %dma_start3A_144 = arith.constant 6 : i32
      %dma_start3A_145 = arith.constant 0 : i32
      %dma_start3A_146 = arith.constant 0 : i32
      %dma_start3A_147 = tpu.memref_slice %arg11[%dma_start3A_144, %dma_start3A_145, %dma_start3A_146] : memref<8x125x32xf32, #tpu.memory_space<vmem>> -> memref<1x125x32xf32, #tpu.memory_space<vmem>>
      %dma_start3A_148 = tpu.memref_squeeze %dma_start3A_147 : memref<1x125x32xf32, #tpu.memory_space<vmem>> -> memref<125x32xf32, #tpu.memory_space<vmem>>
      %dma_start3A_149 = arith.constant 0 : i32
      %dma_start3A_150 = tpu.memref_slice %arg9[%add3A_143, %dma_start3A_149] : memref<80x125xi32, #tpu.memory_space<vmem>> -> memref<1x125xi32, #tpu.memory_space<vmem>>
      %dma_start3A_151 = tpu.memref_squeeze %dma_start3A_150 : memref<1x125xi32, #tpu.memory_space<vmem>> -> memref<125xi32, #tpu.memory_space<vmem>>
      %dma_start3A_152 = arith.constant 0 : i32
      %dma_start3A_153 = arith.constant 0 : i32
      %dma_start3A_154 = tpu.memref_slice %arg17[%dma_start3A_152, %dma_start3A_153] : memref<10240x32xf32, #tpu.memory_space<vmem_shared>> -> memref<10240x32xf32, #tpu.memory_space<vmem_shared>>
      tpu.enqueue_indirect_dma source(%dma_start3A_154 : memref<10240x32xf32, #tpu.memory_space<vmem_shared>>) target(%dma_start3A_148 : memref<125x32xf32, #tpu.memory_space<vmem>>) offsets(%dma_start3A_151 : memref<125xi32, #tpu.memory_space<vmem>>) semaphore(%arg18 : memref<!tpu.dma_semaphore, #tpu.memory_space<semaphore_mem>>)
      %add3A_155 = arith.constant 7 : i32
      %add3A_156 = arith.addi %mul3A_64, %add3A_155 : i32
      %dma_start3A_157 = arith.constant 7 : i32
      %dma_start3A_158 = arith.constant 0 : i32
      %dma_start3A_159 = arith.constant 0 : i32
      %dma_start3A_160 = tpu.memref_slice %arg11[%dma_start3A_157, %dma_start3A_158, %dma_start3A_159] : memref<8x125x32xf32, #tpu.memory_space<vmem>> -> memref<1x125x32xf32, #tpu.memory_space<vmem>>
      %dma_start3A_161 = tpu.memref_squeeze %dma_start3A_160 : memref<1x125x32xf32, #tpu.memory_space<vmem>> -> memref<125x32xf32, #tpu.memory_space<vmem>>
      %dma_start3A_162 = arith.constant 0 : i32
      %dma_start3A_163 = tpu.memref_slice %arg9[%add3A_156, %dma_start3A_162] : memref<80x125xi32, #tpu.memory_space<vmem>> -> memref<1x125xi32, #tpu.memory_space<vmem>>
      %dma_start3A_164 = tpu.memref_squeeze %dma_start3A_163 : memref<1x125xi32, #tpu.memory_space<vmem>> -> memref<125xi32, #tpu.memory_space<vmem>>
      %dma_start3A_165 = arith.constant 0 : i32
      %dma_start3A_166 = arith.constant 0 : i32
      %dma_start3A_167 = tpu.memref_slice %arg17[%dma_start3A_165, %dma_start3A_166] : memref<10240x32xf32, #tpu.memory_space<vmem_shared>> -> memref<10240x32xf32, #tpu.memory_space<vmem_shared>>
      tpu.enqueue_indirect_dma source(%dma_start3A_167 : memref<10240x32xf32, #tpu.memory_space<vmem_shared>>) target(%dma_start3A_161 : memref<125x32xf32, #tpu.memory_space<vmem>>) offsets(%dma_start3A_164 : memref<125xi32, #tpu.memory_space<vmem>>) semaphore(%arg18 : memref<!tpu.dma_semaphore, #tpu.memory_space<semaphore_mem>>)
      %dma_wait3A = arith.constant 0 : i32
      %dma_wait3A_168 = arith.constant 0 : i32
      %dma_wait3A_169 = arith.constant 0 : i32
      %dma_wait3A_170 = tpu.memref_slice %arg11[%dma_wait3A, %dma_wait3A_168, %dma_wait3A_169] : memref<8x125x32xf32, #tpu.memory_space<vmem>> -> memref<1x125x32xf32, #tpu.memory_space<vmem>>
      %dma_wait3A_171 = tpu.memref_squeeze %dma_wait3A_170 : memref<1x125x32xf32, #tpu.memory_space<vmem>> -> memref<125x32xf32, #tpu.memory_space<vmem>>
      %dma_wait3A_172 = arith.constant 0 : i32
      %dma_wait3A_173 = tpu.memref_slice %arg9[%add3A_66, %dma_wait3A_172] : memref<80x125xi32, #tpu.memory_space<vmem>> -> memref<1x125xi32, #tpu.memory_space<vmem>>
      %dma_wait3A_174 = tpu.memref_squeeze %dma_wait3A_173 : memref<1x125xi32, #tpu.memory_space<vmem>> -> memref<125xi32, #tpu.memory_space<vmem>>
      %dma_wait3A_175 = arith.constant 0 : i32
      %dma_wait3A_176 = arith.constant 0 : i32
      %dma_wait3A_177 = tpu.memref_slice %arg17[%dma_wait3A_175, %dma_wait3A_176] : memref<10240x32xf32, #tpu.memory_space<vmem_shared>> -> memref<10240x32xf32, #tpu.memory_space<vmem_shared>>
      tpu.wait_indirect_dma semaphore(%arg18 : memref<!tpu.dma_semaphore, #tpu.memory_space<semaphore_mem>>) src(%dma_wait3A_177 : memref<10240x32xf32, #tpu.memory_space<vmem_shared>>) dst(%dma_wait3A_171 : memref<125x32xf32, #tpu.memory_space<vmem>>)
      %add3A_178 = arith.constant 0 : i32
      %add3A_179 = arith.addi %mul3A_64, %add3A_178 : i32
      %dma_start3A_180 = arith.constant 0 : i32
      %dma_start3A_181 = arith.constant 0 : i32
      %dma_start3A_182 = arith.constant 0 : i32
      %dma_start3A_183 = tpu.memref_slice %arg11[%dma_start3A_180, %dma_start3A_181, %dma_start3A_182] : memref<8x125x32xf32, #tpu.memory_space<vmem>> -> memref<1x125x32xf32, #tpu.memory_space<vmem>>
      %dma_start3A_184 = tpu.memref_squeeze %dma_start3A_183 : memref<1x125x32xf32, #tpu.memory_space<vmem>> -> memref<125x32xf32, #tpu.memory_space<vmem>>
      %dma_start3A_185 = arith.constant 0 : i32
      %dma_start3A_186 = tpu.memref_slice %arg10[%add3A_179, %dma_start3A_185] : memref<80x125xi32, #tpu.memory_space<vmem>> -> memref<1x125xi32, #tpu.memory_space<vmem>>
      %dma_start3A_187 = tpu.memref_squeeze %dma_start3A_186 : memref<1x125xi32, #tpu.memory_space<vmem>> -> memref<125xi32, #tpu.memory_space<vmem>>
      %dma_start3A_188 = arith.constant 0 : i32
      %dma_start3A_189 = arith.constant 0 : i32
      %dma_start3A_190 = tpu.memref_slice %arg15[%dma_start3A_188, %dma_start3A_189] : memref<10240x32xf32, #tpu.memory_space<vmem_shared>> -> memref<10240x32xf32, #tpu.memory_space<vmem_shared>>
      tpu.enqueue_indirect_dma source(%dma_start3A_184 : memref<125x32xf32, #tpu.memory_space<vmem>>) target(%dma_start3A_190 : memref<10240x32xf32, #tpu.memory_space<vmem_shared>>) offsets(%dma_start3A_187 : memref<125xi32, #tpu.memory_space<vmem>>) semaphore(%arg19 : memref<!tpu.dma_semaphore, #tpu.memory_space<semaphore_mem>>) {add = true}
      %add3A_191 = arith.constant 0 : i32
      %add3A_192 = arith.addi %mul3A_64, %add3A_191 : i32
      %dma_start3A_193 = arith.constant 0 : i32
      %dma_start3A_194 = tpu.memref_slice %arg14[%dma_start3A_193] : memref<128xf32, #tpu.memory_space<vmem>> -> memref<125xf32, #tpu.memory_space<vmem>>
      %dma_start3A_195 = arith.constant 0 : i32
      %dma_start3A_196 = tpu.memref_slice %arg10[%add3A_192, %dma_start3A_195] : memref<80x125xi32, #tpu.memory_space<vmem>> -> memref<1x125xi32, #tpu.memory_space<vmem>>
      %dma_start3A_197 = tpu.memref_squeeze %dma_start3A_196 : memref<1x125xi32, #tpu.memory_space<vmem>> -> memref<125xi32, #tpu.memory_space<vmem>>
      %dma_start3A_198 = arith.constant 0 : i32
      %dma_start3A_199 = tpu.memref_slice %arg16[%dma_start3A_198] : memref<10240xf32, #tpu.memory_space<vmem_shared>> -> memref<10240xf32, #tpu.memory_space<vmem_shared>>
      tpu.enqueue_indirect_dma source(%dma_start3A_194 : memref<125xf32, #tpu.memory_space<vmem>>) target(%dma_start3A_199 : memref<10240xf32, #tpu.memory_space<vmem_shared>>) offsets(%dma_start3A_197 : memref<125xi32, #tpu.memory_space<vmem>>) semaphore(%arg19 : memref<!tpu.dma_semaphore, #tpu.memory_space<semaphore_mem>>) {add = true}
      %dma_wait3A_200 = arith.constant 1 : i32
      %dma_wait3A_201 = arith.constant 0 : i32
      %dma_wait3A_202 = arith.constant 0 : i32
      %dma_wait3A_203 = tpu.memref_slice %arg11[%dma_wait3A_200, %dma_wait3A_201, %dma_wait3A_202] : memref<8x125x32xf32, #tpu.memory_space<vmem>> -> memref<1x125x32xf32, #tpu.memory_space<vmem>>
      %dma_wait3A_204 = tpu.memref_squeeze %dma_wait3A_203 : memref<1x125x32xf32, #tpu.memory_space<vmem>> -> memref<125x32xf32, #tpu.memory_space<vmem>>
      %dma_wait3A_205 = arith.constant 0 : i32
      %dma_wait3A_206 = tpu.memref_slice %arg9[%add3A_78, %dma_wait3A_205] : memref<80x125xi32, #tpu.memory_space<vmem>> -> memref<1x125xi32, #tpu.memory_space<vmem>>
      %dma_wait3A_207 = tpu.memref_squeeze %dma_wait3A_206 : memref<1x125xi32, #tpu.memory_space<vmem>> -> memref<125xi32, #tpu.memory_space<vmem>>
      %dma_wait3A_208 = arith.constant 0 : i32
      %dma_wait3A_209 = arith.constant 0 : i32
      %dma_wait3A_210 = tpu.memref_slice %arg17[%dma_wait3A_208, %dma_wait3A_209] : memref<10240x32xf32, #tpu.memory_space<vmem_shared>> -> memref<10240x32xf32, #tpu.memory_space<vmem_shared>>
      tpu.wait_indirect_dma semaphore(%arg18 : memref<!tpu.dma_semaphore, #tpu.memory_space<semaphore_mem>>) src(%dma_wait3A_210 : memref<10240x32xf32, #tpu.memory_space<vmem_shared>>) dst(%dma_wait3A_204 : memref<125x32xf32, #tpu.memory_space<vmem>>)
      %add3A_211 = arith.constant 1 : i32
      %add3A_212 = arith.addi %mul3A_64, %add3A_211 : i32
      %dma_start3A_213 = arith.constant 1 : i32
      %dma_start3A_214 = arith.constant 0 : i32
      %dma_start3A_215 = arith.constant 0 : i32
      %dma_start3A_216 = tpu.memref_slice %arg11[%dma_start3A_213, %dma_start3A_214, %dma_start3A_215] : memref<8x125x32xf32, #tpu.memory_space<vmem>> -> memref<1x125x32xf32, #tpu.memory_space<vmem>>
      %dma_start3A_217 = tpu.memref_squeeze %dma_start3A_216 : memref<1x125x32xf32, #tpu.memory_space<vmem>> -> memref<125x32xf32, #tpu.memory_space<vmem>>
      %dma_start3A_218 = arith.constant 0 : i32
      %dma_start3A_219 = tpu.memref_slice %arg10[%add3A_212, %dma_start3A_218] : memref<80x125xi32, #tpu.memory_space<vmem>> -> memref<1x125xi32, #tpu.memory_space<vmem>>
      %dma_start3A_220 = tpu.memref_squeeze %dma_start3A_219 : memref<1x125xi32, #tpu.memory_space<vmem>> -> memref<125xi32, #tpu.memory_space<vmem>>
      %dma_start3A_221 = arith.constant 0 : i32
      %dma_start3A_222 = arith.constant 0 : i32
      %dma_start3A_223 = tpu.memref_slice %arg15[%dma_start3A_221, %dma_start3A_222] : memref<10240x32xf32, #tpu.memory_space<vmem_shared>> -> memref<10240x32xf32, #tpu.memory_space<vmem_shared>>
      tpu.enqueue_indirect_dma source(%dma_start3A_217 : memref<125x32xf32, #tpu.memory_space<vmem>>) target(%dma_start3A_223 : memref<10240x32xf32, #tpu.memory_space<vmem_shared>>) offsets(%dma_start3A_220 : memref<125xi32, #tpu.memory_space<vmem>>) semaphore(%arg19 : memref<!tpu.dma_semaphore, #tpu.memory_space<semaphore_mem>>) {add = true}
      %add3A_224 = arith.constant 1 : i32
      %add3A_225 = arith.addi %mul3A_64, %add3A_224 : i32
      %dma_start3A_226 = arith.constant 0 : i32
      %dma_start3A_227 = tpu.memref_slice %arg14[%dma_start3A_226] : memref<128xf32, #tpu.memory_space<vmem>> -> memref<125xf32, #tpu.memory_space<vmem>>
      %dma_start3A_228 = arith.constant 0 : i32
      %dma_start3A_229 = tpu.memref_slice %arg10[%add3A_225, %dma_start3A_228] : memref<80x125xi32, #tpu.memory_space<vmem>> -> memref<1x125xi32, #tpu.memory_space<vmem>>
      %dma_start3A_230 = tpu.memref_squeeze %dma_start3A_229 : memref<1x125xi32, #tpu.memory_space<vmem>> -> memref<125xi32, #tpu.memory_space<vmem>>
      %dma_start3A_231 = arith.constant 0 : i32
      %dma_start3A_232 = tpu.memref_slice %arg16[%dma_start3A_231] : memref<10240xf32, #tpu.memory_space<vmem_shared>> -> memref<10240xf32, #tpu.memory_space<vmem_shared>>
      tpu.enqueue_indirect_dma source(%dma_start3A_227 : memref<125xf32, #tpu.memory_space<vmem>>) target(%dma_start3A_232 : memref<10240xf32, #tpu.memory_space<vmem_shared>>) offsets(%dma_start3A_230 : memref<125xi32, #tpu.memory_space<vmem>>) semaphore(%arg19 : memref<!tpu.dma_semaphore, #tpu.memory_space<semaphore_mem>>) {add = true}
      %dma_wait3A_233 = arith.constant 2 : i32
      %dma_wait3A_234 = arith.constant 0 : i32
      %dma_wait3A_235 = arith.constant 0 : i32
      %dma_wait3A_236 = tpu.memref_slice %arg11[%dma_wait3A_233, %dma_wait3A_234, %dma_wait3A_235] : memref<8x125x32xf32, #tpu.memory_space<vmem>> -> memref<1x125x32xf32, #tpu.memory_space<vmem>>
      %dma_wait3A_237 = tpu.memref_squeeze %dma_wait3A_236 : memref<1x125x32xf32, #tpu.memory_space<vmem>> -> memref<125x32xf32, #tpu.memory_space<vmem>>
      %dma_wait3A_238 = arith.constant 0 : i32
      %dma_wait3A_239 = tpu.memref_slice %arg9[%add3A_91, %dma_wait3A_238] : memref<80x125xi32, #tpu.memory_space<vmem>> -> memref<1x125xi32, #tpu.memory_space<vmem>>
      %dma_wait3A_240 = tpu.memref_squeeze %dma_wait3A_239 : memref<1x125xi32, #tpu.memory_space<vmem>> -> memref<125xi32, #tpu.memory_space<vmem>>
      %dma_wait3A_241 = arith.constant 0 : i32
      %dma_wait3A_242 = arith.constant 0 : i32
      %dma_wait3A_243 = tpu.memref_slice %arg17[%dma_wait3A_241, %dma_wait3A_242] : memref<10240x32xf32, #tpu.memory_space<vmem_shared>> -> memref<10240x32xf32, #tpu.memory_space<vmem_shared>>
      tpu.wait_indirect_dma semaphore(%arg18 : memref<!tpu.dma_semaphore, #tpu.memory_space<semaphore_mem>>) src(%dma_wait3A_243 : memref<10240x32xf32, #tpu.memory_space<vmem_shared>>) dst(%dma_wait3A_237 : memref<125x32xf32, #tpu.memory_space<vmem>>)
      %add3A_244 = arith.constant 2 : i32
      %add3A_245 = arith.addi %mul3A_64, %add3A_244 : i32
      %dma_start3A_246 = arith.constant 2 : i32
      %dma_start3A_247 = arith.constant 0 : i32
      %dma_start3A_248 = arith.constant 0 : i32
      %dma_start3A_249 = tpu.memref_slice %arg11[%dma_start3A_246, %dma_start3A_247, %dma_start3A_248] : memref<8x125x32xf32, #tpu.memory_space<vmem>> -> memref<1x125x32xf32, #tpu.memory_space<vmem>>
      %dma_start3A_250 = tpu.memref_squeeze %dma_start3A_249 : memref<1x125x32xf32, #tpu.memory_space<vmem>> -> memref<125x32xf32, #tpu.memory_space<vmem>>
      %dma_start3A_251 = arith.constant 0 : i32
      %dma_start3A_252 = tpu.memref_slice %arg10[%add3A_245, %dma_start3A_251] : memref<80x125xi32, #tpu.memory_space<vmem>> -> memref<1x125xi32, #tpu.memory_space<vmem>>
      %dma_start3A_253 = tpu.memref_squeeze %dma_start3A_252 : memref<1x125xi32, #tpu.memory_space<vmem>> -> memref<125xi32, #tpu.memory_space<vmem>>
      %dma_start3A_254 = arith.constant 0 : i32
      %dma_start3A_255 = arith.constant 0 : i32
      %dma_start3A_256 = tpu.memref_slice %arg15[%dma_start3A_254, %dma_start3A_255] : memref<10240x32xf32, #tpu.memory_space<vmem_shared>> -> memref<10240x32xf32, #tpu.memory_space<vmem_shared>>
      tpu.enqueue_indirect_dma source(%dma_start3A_250 : memref<125x32xf32, #tpu.memory_space<vmem>>) target(%dma_start3A_256 : memref<10240x32xf32, #tpu.memory_space<vmem_shared>>) offsets(%dma_start3A_253 : memref<125xi32, #tpu.memory_space<vmem>>) semaphore(%arg19 : memref<!tpu.dma_semaphore, #tpu.memory_space<semaphore_mem>>) {add = true}
      %add3A_257 = arith.constant 2 : i32
      %add3A_258 = arith.addi %mul3A_64, %add3A_257 : i32
      %dma_start3A_259 = arith.constant 0 : i32
      %dma_start3A_260 = tpu.memref_slice %arg14[%dma_start3A_259] : memref<128xf32, #tpu.memory_space<vmem>> -> memref<125xf32, #tpu.memory_space<vmem>>
      %dma_start3A_261 = arith.constant 0 : i32
      %dma_start3A_262 = tpu.memref_slice %arg10[%add3A_258, %dma_start3A_261] : memref<80x125xi32, #tpu.memory_space<vmem>> -> memref<1x125xi32, #tpu.memory_space<vmem>>
      %dma_start3A_263 = tpu.memref_squeeze %dma_start3A_262 : memref<1x125xi32, #tpu.memory_space<vmem>> -> memref<125xi32, #tpu.memory_space<vmem>>
      %dma_start3A_264 = arith.constant 0 : i32
      %dma_start3A_265 = tpu.memref_slice %arg16[%dma_start3A_264] : memref<10240xf32, #tpu.memory_space<vmem_shared>> -> memref<10240xf32, #tpu.memory_space<vmem_shared>>
      tpu.enqueue_indirect_dma source(%dma_start3A_260 : memref<125xf32, #tpu.memory_space<vmem>>) target(%dma_start3A_265 : memref<10240xf32, #tpu.memory_space<vmem_shared>>) offsets(%dma_start3A_263 : memref<125xi32, #tpu.memory_space<vmem>>) semaphore(%arg19 : memref<!tpu.dma_semaphore, #tpu.memory_space<semaphore_mem>>) {add = true}
      %dma_wait3A_266 = arith.constant 3 : i32
      %dma_wait3A_267 = arith.constant 0 : i32
      %dma_wait3A_268 = arith.constant 0 : i32
      %dma_wait3A_269 = tpu.memref_slice %arg11[%dma_wait3A_266, %dma_wait3A_267, %dma_wait3A_268] : memref<8x125x32xf32, #tpu.memory_space<vmem>> -> memref<1x125x32xf32, #tpu.memory_space<vmem>>
      %dma_wait3A_270 = tpu.memref_squeeze %dma_wait3A_269 : memref<1x125x32xf32, #tpu.memory_space<vmem>> -> memref<125x32xf32, #tpu.memory_space<vmem>>
      %dma_wait3A_271 = arith.constant 0 : i32
      %dma_wait3A_272 = tpu.memref_slice %arg9[%add3A_104, %dma_wait3A_271] : memref<80x125xi32, #tpu.memory_space<vmem>> -> memref<1x125xi32, #tpu.memory_space<vmem>>
      %dma_wait3A_273 = tpu.memref_squeeze %dma_wait3A_272 : memref<1x125xi32, #tpu.memory_space<vmem>> -> memref<125xi32, #tpu.memory_space<vmem>>
      %dma_wait3A_274 = arith.constant 0 : i32
      %dma_wait3A_275 = arith.constant 0 : i32
      %dma_wait3A_276 = tpu.memref_slice %arg17[%dma_wait3A_274, %dma_wait3A_275] : memref<10240x32xf32, #tpu.memory_space<vmem_shared>> -> memref<10240x32xf32, #tpu.memory_space<vmem_shared>>
      tpu.wait_indirect_dma semaphore(%arg18 : memref<!tpu.dma_semaphore, #tpu.memory_space<semaphore_mem>>) src(%dma_wait3A_276 : memref<10240x32xf32, #tpu.memory_space<vmem_shared>>) dst(%dma_wait3A_270 : memref<125x32xf32, #tpu.memory_space<vmem>>)
      %add3A_277 = arith.constant 3 : i32
      %add3A_278 = arith.addi %mul3A_64, %add3A_277 : i32
      %dma_start3A_279 = arith.constant 3 : i32
      %dma_start3A_280 = arith.constant 0 : i32
      %dma_start3A_281 = arith.constant 0 : i32
      %dma_start3A_282 = tpu.memref_slice %arg11[%dma_start3A_279, %dma_start3A_280, %dma_start3A_281] : memref<8x125x32xf32, #tpu.memory_space<vmem>> -> memref<1x125x32xf32, #tpu.memory_space<vmem>>
      %dma_start3A_283 = tpu.memref_squeeze %dma_start3A_282 : memref<1x125x32xf32, #tpu.memory_space<vmem>> -> memref<125x32xf32, #tpu.memory_space<vmem>>
      %dma_start3A_284 = arith.constant 0 : i32
      %dma_start3A_285 = tpu.memref_slice %arg10[%add3A_278, %dma_start3A_284] : memref<80x125xi32, #tpu.memory_space<vmem>> -> memref<1x125xi32, #tpu.memory_space<vmem>>
      %dma_start3A_286 = tpu.memref_squeeze %dma_start3A_285 : memref<1x125xi32, #tpu.memory_space<vmem>> -> memref<125xi32, #tpu.memory_space<vmem>>
      %dma_start3A_287 = arith.constant 0 : i32
      %dma_start3A_288 = arith.constant 0 : i32
      %dma_start3A_289 = tpu.memref_slice %arg15[%dma_start3A_287, %dma_start3A_288] : memref<10240x32xf32, #tpu.memory_space<vmem_shared>> -> memref<10240x32xf32, #tpu.memory_space<vmem_shared>>
      tpu.enqueue_indirect_dma source(%dma_start3A_283 : memref<125x32xf32, #tpu.memory_space<vmem>>) target(%dma_start3A_289 : memref<10240x32xf32, #tpu.memory_space<vmem_shared>>) offsets(%dma_start3A_286 : memref<125xi32, #tpu.memory_space<vmem>>) semaphore(%arg19 : memref<!tpu.dma_semaphore, #tpu.memory_space<semaphore_mem>>) {add = true}
      %add3A_290 = arith.constant 3 : i32
      %add3A_291 = arith.addi %mul3A_64, %add3A_290 : i32
      %dma_start3A_292 = arith.constant 0 : i32
      %dma_start3A_293 = tpu.memref_slice %arg14[%dma_start3A_292] : memref<128xf32, #tpu.memory_space<vmem>> -> memref<125xf32, #tpu.memory_space<vmem>>
      %dma_start3A_294 = arith.constant 0 : i32
      %dma_start3A_295 = tpu.memref_slice %arg10[%add3A_291, %dma_start3A_294] : memref<80x125xi32, #tpu.memory_space<vmem>> -> memref<1x125xi32, #tpu.memory_space<vmem>>
      %dma_start3A_296 = tpu.memref_squeeze %dma_start3A_295 : memref<1x125xi32, #tpu.memory_space<vmem>> -> memref<125xi32, #tpu.memory_space<vmem>>
      %dma_start3A_297 = arith.constant 0 : i32
      %dma_start3A_298 = tpu.memref_slice %arg16[%dma_start3A_297] : memref<10240xf32, #tpu.memory_space<vmem_shared>> -> memref<10240xf32, #tpu.memory_space<vmem_shared>>
      tpu.enqueue_indirect_dma source(%dma_start3A_293 : memref<125xf32, #tpu.memory_space<vmem>>) target(%dma_start3A_298 : memref<10240xf32, #tpu.memory_space<vmem_shared>>) offsets(%dma_start3A_296 : memref<125xi32, #tpu.memory_space<vmem>>) semaphore(%arg19 : memref<!tpu.dma_semaphore, #tpu.memory_space<semaphore_mem>>) {add = true}
      %dma_wait3A_299 = arith.constant 4 : i32
      %dma_wait3A_300 = arith.constant 0 : i32
      %dma_wait3A_301 = arith.constant 0 : i32
      %dma_wait3A_302 = tpu.memref_slice %arg11[%dma_wait3A_299, %dma_wait3A_300, %dma_wait3A_301] : memref<8x125x32xf32, #tpu.memory_space<vmem>> -> memref<1x125x32xf32, #tpu.memory_space<vmem>>
      %dma_wait3A_303 = tpu.memref_squeeze %dma_wait3A_302 : memref<1x125x32xf32, #tpu.memory_space<vmem>> -> memref<125x32xf32, #tpu.memory_space<vmem>>
      %dma_wait3A_304 = arith.constant 0 : i32
      %dma_wait3A_305 = tpu.memref_slice %arg9[%add3A_117, %dma_wait3A_304] : memref<80x125xi32, #tpu.memory_space<vmem>> -> memref<1x125xi32, #tpu.memory_space<vmem>>
      %dma_wait3A_306 = tpu.memref_squeeze %dma_wait3A_305 : memref<1x125xi32, #tpu.memory_space<vmem>> -> memref<125xi32, #tpu.memory_space<vmem>>
      %dma_wait3A_307 = arith.constant 0 : i32
      %dma_wait3A_308 = arith.constant 0 : i32
      %dma_wait3A_309 = tpu.memref_slice %arg17[%dma_wait3A_307, %dma_wait3A_308] : memref<10240x32xf32, #tpu.memory_space<vmem_shared>> -> memref<10240x32xf32, #tpu.memory_space<vmem_shared>>
      tpu.wait_indirect_dma semaphore(%arg18 : memref<!tpu.dma_semaphore, #tpu.memory_space<semaphore_mem>>) src(%dma_wait3A_309 : memref<10240x32xf32, #tpu.memory_space<vmem_shared>>) dst(%dma_wait3A_303 : memref<125x32xf32, #tpu.memory_space<vmem>>)
      %add3A_310 = arith.constant 4 : i32
      %add3A_311 = arith.addi %mul3A_64, %add3A_310 : i32
      %dma_start3A_312 = arith.constant 4 : i32
      %dma_start3A_313 = arith.constant 0 : i32
      %dma_start3A_314 = arith.constant 0 : i32
      %dma_start3A_315 = tpu.memref_slice %arg11[%dma_start3A_312, %dma_start3A_313, %dma_start3A_314] : memref<8x125x32xf32, #tpu.memory_space<vmem>> -> memref<1x125x32xf32, #tpu.memory_space<vmem>>
      %dma_start3A_316 = tpu.memref_squeeze %dma_start3A_315 : memref<1x125x32xf32, #tpu.memory_space<vmem>> -> memref<125x32xf32, #tpu.memory_space<vmem>>
      %dma_start3A_317 = arith.constant 0 : i32
      %dma_start3A_318 = tpu.memref_slice %arg10[%add3A_311, %dma_start3A_317] : memref<80x125xi32, #tpu.memory_space<vmem>> -> memref<1x125xi32, #tpu.memory_space<vmem>>
      %dma_start3A_319 = tpu.memref_squeeze %dma_start3A_318 : memref<1x125xi32, #tpu.memory_space<vmem>> -> memref<125xi32, #tpu.memory_space<vmem>>
      %dma_start3A_320 = arith.constant 0 : i32
      %dma_start3A_321 = arith.constant 0 : i32
      %dma_start3A_322 = tpu.memref_slice %arg15[%dma_start3A_320, %dma_start3A_321] : memref<10240x32xf32, #tpu.memory_space<vmem_shared>> -> memref<10240x32xf32, #tpu.memory_space<vmem_shared>>
      tpu.enqueue_indirect_dma source(%dma_start3A_316 : memref<125x32xf32, #tpu.memory_space<vmem>>) target(%dma_start3A_322 : memref<10240x32xf32, #tpu.memory_space<vmem_shared>>) offsets(%dma_start3A_319 : memref<125xi32, #tpu.memory_space<vmem>>) semaphore(%arg19 : memref<!tpu.dma_semaphore, #tpu.memory_space<semaphore_mem>>) {add = true}
      %add3A_323 = arith.constant 4 : i32
      %add3A_324 = arith.addi %mul3A_64, %add3A_323 : i32
      %dma_start3A_325 = arith.constant 0 : i32
      %dma_start3A_326 = tpu.memref_slice %arg14[%dma_start3A_325] : memref<128xf32, #tpu.memory_space<vmem>> -> memref<125xf32, #tpu.memory_space<vmem>>
      %dma_start3A_327 = arith.constant 0 : i32
      %dma_start3A_328 = tpu.memref_slice %arg10[%add3A_324, %dma_start3A_327] : memref<80x125xi32, #tpu.memory_space<vmem>> -> memref<1x125xi32, #tpu.memory_space<vmem>>
      %dma_start3A_329 = tpu.memref_squeeze %dma_start3A_328 : memref<1x125xi32, #tpu.memory_space<vmem>> -> memref<125xi32, #tpu.memory_space<vmem>>
      %dma_start3A_330 = arith.constant 0 : i32
      %dma_start3A_331 = tpu.memref_slice %arg16[%dma_start3A_330] : memref<10240xf32, #tpu.memory_space<vmem_shared>> -> memref<10240xf32, #tpu.memory_space<vmem_shared>>
      tpu.enqueue_indirect_dma source(%dma_start3A_326 : memref<125xf32, #tpu.memory_space<vmem>>) target(%dma_start3A_331 : memref<10240xf32, #tpu.memory_space<vmem_shared>>) offsets(%dma_start3A_329 : memref<125xi32, #tpu.memory_space<vmem>>) semaphore(%arg19 : memref<!tpu.dma_semaphore, #tpu.memory_space<semaphore_mem>>) {add = true}
      %dma_wait3A_332 = arith.constant 5 : i32
      %dma_wait3A_333 = arith.constant 0 : i32
      %dma_wait3A_334 = arith.constant 0 : i32
      %dma_wait3A_335 = tpu.memref_slice %arg11[%dma_wait3A_332, %dma_wait3A_333, %dma_wait3A_334] : memref<8x125x32xf32, #tpu.memory_space<vmem>> -> memref<1x125x32xf32, #tpu.memory_space<vmem>>
      %dma_wait3A_336 = tpu.memref_squeeze %dma_wait3A_335 : memref<1x125x32xf32, #tpu.memory_space<vmem>> -> memref<125x32xf32, #tpu.memory_space<vmem>>
      %dma_wait3A_337 = arith.constant 0 : i32
      %dma_wait3A_338 = tpu.memref_slice %arg9[%add3A_130, %dma_wait3A_337] : memref<80x125xi32, #tpu.memory_space<vmem>> -> memref<1x125xi32, #tpu.memory_space<vmem>>
      %dma_wait3A_339 = tpu.memref_squeeze %dma_wait3A_338 : memref<1x125xi32, #tpu.memory_space<vmem>> -> memref<125xi32, #tpu.memory_space<vmem>>
      %dma_wait3A_340 = arith.constant 0 : i32
      %dma_wait3A_341 = arith.constant 0 : i32
      %dma_wait3A_342 = tpu.memref_slice %arg17[%dma_wait3A_340, %dma_wait3A_341] : memref<10240x32xf32, #tpu.memory_space<vmem_shared>> -> memref<10240x32xf32, #tpu.memory_space<vmem_shared>>
      tpu.wait_indirect_dma semaphore(%arg18 : memref<!tpu.dma_semaphore, #tpu.memory_space<semaphore_mem>>) src(%dma_wait3A_342 : memref<10240x32xf32, #tpu.memory_space<vmem_shared>>) dst(%dma_wait3A_336 : memref<125x32xf32, #tpu.memory_space<vmem>>)
      %add3A_343 = arith.constant 5 : i32
      %add3A_344 = arith.addi %mul3A_64, %add3A_343 : i32
      %dma_start3A_345 = arith.constant 5 : i32
      %dma_start3A_346 = arith.constant 0 : i32
      %dma_start3A_347 = arith.constant 0 : i32
      %dma_start3A_348 = tpu.memref_slice %arg11[%dma_start3A_345, %dma_start3A_346, %dma_start3A_347] : memref<8x125x32xf32, #tpu.memory_space<vmem>> -> memref<1x125x32xf32, #tpu.memory_space<vmem>>
      %dma_start3A_349 = tpu.memref_squeeze %dma_start3A_348 : memref<1x125x32xf32, #tpu.memory_space<vmem>> -> memref<125x32xf32, #tpu.memory_space<vmem>>
      %dma_start3A_350 = arith.constant 0 : i32
      %dma_start3A_351 = tpu.memref_slice %arg10[%add3A_344, %dma_start3A_350] : memref<80x125xi32, #tpu.memory_space<vmem>> -> memref<1x125xi32, #tpu.memory_space<vmem>>
      %dma_start3A_352 = tpu.memref_squeeze %dma_start3A_351 : memref<1x125xi32, #tpu.memory_space<vmem>> -> memref<125xi32, #tpu.memory_space<vmem>>
      %dma_start3A_353 = arith.constant 0 : i32
      %dma_start3A_354 = arith.constant 0 : i32
      %dma_start3A_355 = tpu.memref_slice %arg15[%dma_start3A_353, %dma_start3A_354] : memref<10240x32xf32, #tpu.memory_space<vmem_shared>> -> memref<10240x32xf32, #tpu.memory_space<vmem_shared>>
      tpu.enqueue_indirect_dma source(%dma_start3A_349 : memref<125x32xf32, #tpu.memory_space<vmem>>) target(%dma_start3A_355 : memref<10240x32xf32, #tpu.memory_space<vmem_shared>>) offsets(%dma_start3A_352 : memref<125xi32, #tpu.memory_space<vmem>>) semaphore(%arg19 : memref<!tpu.dma_semaphore, #tpu.memory_space<semaphore_mem>>) {add = true}
      %add3A_356 = arith.constant 5 : i32
      %add3A_357 = arith.addi %mul3A_64, %add3A_356 : i32
      %dma_start3A_358 = arith.constant 0 : i32
      %dma_start3A_359 = tpu.memref_slice %arg14[%dma_start3A_358] : memref<128xf32, #tpu.memory_space<vmem>> -> memref<125xf32, #tpu.memory_space<vmem>>
      %dma_start3A_360 = arith.constant 0 : i32
      %dma_start3A_361 = tpu.memref_slice %arg10[%add3A_357, %dma_start3A_360] : memref<80x125xi32, #tpu.memory_space<vmem>> -> memref<1x125xi32, #tpu.memory_space<vmem>>
      %dma_start3A_362 = tpu.memref_squeeze %dma_start3A_361 : memref<1x125xi32, #tpu.memory_space<vmem>> -> memref<125xi32, #tpu.memory_space<vmem>>
      %dma_start3A_363 = arith.constant 0 : i32
      %dma_start3A_364 = tpu.memref_slice %arg16[%dma_start3A_363] : memref<10240xf32, #tpu.memory_space<vmem_shared>> -> memref<10240xf32, #tpu.memory_space<vmem_shared>>
      tpu.enqueue_indirect_dma source(%dma_start3A_359 : memref<125xf32, #tpu.memory_space<vmem>>) target(%dma_start3A_364 : memref<10240xf32, #tpu.memory_space<vmem_shared>>) offsets(%dma_start3A_362 : memref<125xi32, #tpu.memory_space<vmem>>) semaphore(%arg19 : memref<!tpu.dma_semaphore, #tpu.memory_space<semaphore_mem>>) {add = true}
      %dma_wait3A_365 = arith.constant 6 : i32
      %dma_wait3A_366 = arith.constant 0 : i32
      %dma_wait3A_367 = arith.constant 0 : i32
      %dma_wait3A_368 = tpu.memref_slice %arg11[%dma_wait3A_365, %dma_wait3A_366, %dma_wait3A_367] : memref<8x125x32xf32, #tpu.memory_space<vmem>> -> memref<1x125x32xf32, #tpu.memory_space<vmem>>
      %dma_wait3A_369 = tpu.memref_squeeze %dma_wait3A_368 : memref<1x125x32xf32, #tpu.memory_space<vmem>> -> memref<125x32xf32, #tpu.memory_space<vmem>>
      %dma_wait3A_370 = arith.constant 0 : i32
      %dma_wait3A_371 = tpu.memref_slice %arg9[%add3A_143, %dma_wait3A_370] : memref<80x125xi32, #tpu.memory_space<vmem>> -> memref<1x125xi32, #tpu.memory_space<vmem>>
      %dma_wait3A_372 = tpu.memref_squeeze %dma_wait3A_371 : memref<1x125xi32, #tpu.memory_space<vmem>> -> memref<125xi32, #tpu.memory_space<vmem>>
      %dma_wait3A_373 = arith.constant 0 : i32
      %dma_wait3A_374 = arith.constant 0 : i32
      %dma_wait3A_375 = tpu.memref_slice %arg17[%dma_wait3A_373, %dma_wait3A_374] : memref<10240x32xf32, #tpu.memory_space<vmem_shared>> -> memref<10240x32xf32, #tpu.memory_space<vmem_shared>>
      tpu.wait_indirect_dma semaphore(%arg18 : memref<!tpu.dma_semaphore, #tpu.memory_space<semaphore_mem>>) src(%dma_wait3A_375 : memref<10240x32xf32, #tpu.memory_space<vmem_shared>>) dst(%dma_wait3A_369 : memref<125x32xf32, #tpu.memory_space<vmem>>)
      %add3A_376 = arith.constant 6 : i32
      %add3A_377 = arith.addi %mul3A_64, %add3A_376 : i32
      %dma_start3A_378 = arith.constant 6 : i32
      %dma_start3A_379 = arith.constant 0 : i32
      %dma_start3A_380 = arith.constant 0 : i32
      %dma_start3A_381 = tpu.memref_slice %arg11[%dma_start3A_378, %dma_start3A_379, %dma_start3A_380] : memref<8x125x32xf32, #tpu.memory_space<vmem>> -> memref<1x125x32xf32, #tpu.memory_space<vmem>>
      %dma_start3A_382 = tpu.memref_squeeze %dma_start3A_381 : memref<1x125x32xf32, #tpu.memory_space<vmem>> -> memref<125x32xf32, #tpu.memory_space<vmem>>
      %dma_start3A_383 = arith.constant 0 : i32
      %dma_start3A_384 = tpu.memref_slice %arg10[%add3A_377, %dma_start3A_383] : memref<80x125xi32, #tpu.memory_space<vmem>> -> memref<1x125xi32, #tpu.memory_space<vmem>>
      %dma_start3A_385 = tpu.memref_squeeze %dma_start3A_384 : memref<1x125xi32, #tpu.memory_space<vmem>> -> memref<125xi32, #tpu.memory_space<vmem>>
      %dma_start3A_386 = arith.constant 0 : i32
      %dma_start3A_387 = arith.constant 0 : i32
      %dma_start3A_388 = tpu.memref_slice %arg15[%dma_start3A_386, %dma_start3A_387] : memref<10240x32xf32, #tpu.memory_space<vmem_shared>> -> memref<10240x32xf32, #tpu.memory_space<vmem_shared>>
      tpu.enqueue_indirect_dma source(%dma_start3A_382 : memref<125x32xf32, #tpu.memory_space<vmem>>) target(%dma_start3A_388 : memref<10240x32xf32, #tpu.memory_space<vmem_shared>>) offsets(%dma_start3A_385 : memref<125xi32, #tpu.memory_space<vmem>>) semaphore(%arg19 : memref<!tpu.dma_semaphore, #tpu.memory_space<semaphore_mem>>) {add = true}
      %add3A_389 = arith.constant 6 : i32
      %add3A_390 = arith.addi %mul3A_64, %add3A_389 : i32
      %dma_start3A_391 = arith.constant 0 : i32
      %dma_start3A_392 = tpu.memref_slice %arg14[%dma_start3A_391] : memref<128xf32, #tpu.memory_space<vmem>> -> memref<125xf32, #tpu.memory_space<vmem>>
      %dma_start3A_393 = arith.constant 0 : i32
      %dma_start3A_394 = tpu.memref_slice %arg10[%add3A_390, %dma_start3A_393] : memref<80x125xi32, #tpu.memory_space<vmem>> -> memref<1x125xi32, #tpu.memory_space<vmem>>
      %dma_start3A_395 = tpu.memref_squeeze %dma_start3A_394 : memref<1x125xi32, #tpu.memory_space<vmem>> -> memref<125xi32, #tpu.memory_space<vmem>>
      %dma_start3A_396 = arith.constant 0 : i32
      %dma_start3A_397 = tpu.memref_slice %arg16[%dma_start3A_396] : memref<10240xf32, #tpu.memory_space<vmem_shared>> -> memref<10240xf32, #tpu.memory_space<vmem_shared>>
      tpu.enqueue_indirect_dma source(%dma_start3A_392 : memref<125xf32, #tpu.memory_space<vmem>>) target(%dma_start3A_397 : memref<10240xf32, #tpu.memory_space<vmem_shared>>) offsets(%dma_start3A_395 : memref<125xi32, #tpu.memory_space<vmem>>) semaphore(%arg19 : memref<!tpu.dma_semaphore, #tpu.memory_space<semaphore_mem>>) {add = true}
      %dma_wait3A_398 = arith.constant 7 : i32
      %dma_wait3A_399 = arith.constant 0 : i32
      %dma_wait3A_400 = arith.constant 0 : i32
      %dma_wait3A_401 = tpu.memref_slice %arg11[%dma_wait3A_398, %dma_wait3A_399, %dma_wait3A_400] : memref<8x125x32xf32, #tpu.memory_space<vmem>> -> memref<1x125x32xf32, #tpu.memory_space<vmem>>
      %dma_wait3A_402 = tpu.memref_squeeze %dma_wait3A_401 : memref<1x125x32xf32, #tpu.memory_space<vmem>> -> memref<125x32xf32, #tpu.memory_space<vmem>>
      %dma_wait3A_403 = arith.constant 0 : i32
      %dma_wait3A_404 = tpu.memref_slice %arg9[%add3A_156, %dma_wait3A_403] : memref<80x125xi32, #tpu.memory_space<vmem>> -> memref<1x125xi32, #tpu.memory_space<vmem>>
      %dma_wait3A_405 = tpu.memref_squeeze %dma_wait3A_404 : memref<1x125xi32, #tpu.memory_space<vmem>> -> memref<125xi32, #tpu.memory_space<vmem>>
      %dma_wait3A_406 = arith.constant 0 : i32
      %dma_wait3A_407 = arith.constant 0 : i32
      %dma_wait3A_408 = tpu.memref_slice %arg17[%dma_wait3A_406, %dma_wait3A_407] : memref<10240x32xf32, #tpu.memory_space<vmem_shared>> -> memref<10240x32xf32, #tpu.memory_space<vmem_shared>>
      tpu.wait_indirect_dma semaphore(%arg18 : memref<!tpu.dma_semaphore, #tpu.memory_space<semaphore_mem>>) src(%dma_wait3A_408 : memref<10240x32xf32, #tpu.memory_space<vmem_shared>>) dst(%dma_wait3A_402 : memref<125x32xf32, #tpu.memory_space<vmem>>)
      %add3A_409 = arith.constant 7 : i32
      %add3A_410 = arith.addi %mul3A_64, %add3A_409 : i32
      %dma_start3A_411 = arith.constant 7 : i32
      %dma_start3A_412 = arith.constant 0 : i32
      %dma_start3A_413 = arith.constant 0 : i32
      %dma_start3A_414 = tpu.memref_slice %arg11[%dma_start3A_411, %dma_start3A_412, %dma_start3A_413] : memref<8x125x32xf32, #tpu.memory_space<vmem>> -> memref<1x125x32xf32, #tpu.memory_space<vmem>>
      %dma_start3A_415 = tpu.memref_squeeze %dma_start3A_414 : memref<1x125x32xf32, #tpu.memory_space<vmem>> -> memref<125x32xf32, #tpu.memory_space<vmem>>
      %dma_start3A_416 = arith.constant 0 : i32
      %dma_start3A_417 = tpu.memref_slice %arg10[%add3A_410, %dma_start3A_416] : memref<80x125xi32, #tpu.memory_space<vmem>> -> memref<1x125xi32, #tpu.memory_space<vmem>>
      %dma_start3A_418 = tpu.memref_squeeze %dma_start3A_417 : memref<1x125xi32, #tpu.memory_space<vmem>> -> memref<125xi32, #tpu.memory_space<vmem>>
      %dma_start3A_419 = arith.constant 0 : i32
      %dma_start3A_420 = arith.constant 0 : i32
      %dma_start3A_421 = tpu.memref_slice %arg15[%dma_start3A_419, %dma_start3A_420] : memref<10240x32xf32, #tpu.memory_space<vmem_shared>> -> memref<10240x32xf32, #tpu.memory_space<vmem_shared>>
      tpu.enqueue_indirect_dma source(%dma_start3A_415 : memref<125x32xf32, #tpu.memory_space<vmem>>) target(%dma_start3A_421 : memref<10240x32xf32, #tpu.memory_space<vmem_shared>>) offsets(%dma_start3A_418 : memref<125xi32, #tpu.memory_space<vmem>>) semaphore(%arg19 : memref<!tpu.dma_semaphore, #tpu.memory_space<semaphore_mem>>) {add = true}
      %add3A_422 = arith.constant 7 : i32
      %add3A_423 = arith.addi %mul3A_64, %add3A_422 : i32
      %dma_start3A_424 = arith.constant 0 : i32
      %dma_start3A_425 = tpu.memref_slice %arg14[%dma_start3A_424] : memref<128xf32, #tpu.memory_space<vmem>> -> memref<125xf32, #tpu.memory_space<vmem>>
      %dma_start3A_426 = arith.constant 0 : i32
      %dma_start3A_427 = tpu.memref_slice %arg10[%add3A_423, %dma_start3A_426] : memref<80x125xi32, #tpu.memory_space<vmem>> -> memref<1x125xi32, #tpu.memory_space<vmem>>
      %dma_start3A_428 = tpu.memref_squeeze %dma_start3A_427 : memref<1x125xi32, #tpu.memory_space<vmem>> -> memref<125xi32, #tpu.memory_space<vmem>>
      %dma_start3A_429 = arith.constant 0 : i32
      %dma_start3A_430 = tpu.memref_slice %arg16[%dma_start3A_429] : memref<10240xf32, #tpu.memory_space<vmem_shared>> -> memref<10240xf32, #tpu.memory_space<vmem_shared>>
      tpu.enqueue_indirect_dma source(%dma_start3A_425 : memref<125xf32, #tpu.memory_space<vmem>>) target(%dma_start3A_430 : memref<10240xf32, #tpu.memory_space<vmem_shared>>) offsets(%dma_start3A_428 : memref<125xi32, #tpu.memory_space<vmem>>) semaphore(%arg19 : memref<!tpu.dma_semaphore, #tpu.memory_space<semaphore_mem>>) {add = true}
      %dma_wait3A_431 = arith.constant 0 : i32
      %dma_wait3A_432 = arith.constant 0 : i32
      %dma_wait3A_433 = arith.constant 0 : i32
      %dma_wait3A_434 = tpu.memref_slice %arg11[%dma_wait3A_431, %dma_wait3A_432, %dma_wait3A_433] : memref<8x125x32xf32, #tpu.memory_space<vmem>> -> memref<1x125x32xf32, #tpu.memory_space<vmem>>
      %dma_wait3A_435 = tpu.memref_squeeze %dma_wait3A_434 : memref<1x125x32xf32, #tpu.memory_space<vmem>> -> memref<125x32xf32, #tpu.memory_space<vmem>>
      %dma_wait3A_436 = arith.constant 0 : i32
      %dma_wait3A_437 = tpu.memref_slice %arg10[%add3A_179, %dma_wait3A_436] : memref<80x125xi32, #tpu.memory_space<vmem>> -> memref<1x125xi32, #tpu.memory_space<vmem>>
      %dma_wait3A_438 = tpu.memref_squeeze %dma_wait3A_437 : memref<1x125xi32, #tpu.memory_space<vmem>> -> memref<125xi32, #tpu.memory_space<vmem>>
      %dma_wait3A_439 = arith.constant 0 : i32
      %dma_wait3A_440 = arith.constant 0 : i32
      %dma_wait3A_441 = tpu.memref_slice %arg15[%dma_wait3A_439, %dma_wait3A_440] : memref<10240x32xf32, #tpu.memory_space<vmem_shared>> -> memref<10240x32xf32, #tpu.memory_space<vmem_shared>>
      tpu.wait_indirect_dma semaphore(%arg19 : memref<!tpu.dma_semaphore, #tpu.memory_space<semaphore_mem>>) src(%dma_wait3A_435 : memref<125x32xf32, #tpu.memory_space<vmem>>) dst(%dma_wait3A_441 : memref<10240x32xf32, #tpu.memory_space<vmem_shared>>)
      %dma_wait3A_442 = arith.constant 0 : i32
      %dma_wait3A_443 = tpu.memref_slice %arg14[%dma_wait3A_442] : memref<128xf32, #tpu.memory_space<vmem>> -> memref<125xf32, #tpu.memory_space<vmem>>
      %dma_wait3A_444 = arith.constant 0 : i32
      %dma_wait3A_445 = tpu.memref_slice %arg10[%add3A_192, %dma_wait3A_444] : memref<80x125xi32, #tpu.memory_space<vmem>> -> memref<1x125xi32, #tpu.memory_space<vmem>>
      %dma_wait3A_446 = tpu.memref_squeeze %dma_wait3A_445 : memref<1x125xi32, #tpu.memory_space<vmem>> -> memref<125xi32, #tpu.memory_space<vmem>>
      %dma_wait3A_447 = arith.constant 0 : i32
      %dma_wait3A_448 = tpu.memref_slice %arg16[%dma_wait3A_447] : memref<10240xf32, #tpu.memory_space<vmem_shared>> -> memref<10240xf32, #tpu.memory_space<vmem_shared>>
      tpu.wait_indirect_dma semaphore(%arg19 : memref<!tpu.dma_semaphore, #tpu.memory_space<semaphore_mem>>) src(%dma_wait3A_443 : memref<125xf32, #tpu.memory_space<vmem>>) dst(%dma_wait3A_448 : memref<10240xf32, #tpu.memory_space<vmem_shared>>)
      %dma_wait3A_449 = arith.constant 1 : i32
      %dma_wait3A_450 = arith.constant 0 : i32
      %dma_wait3A_451 = arith.constant 0 : i32
      %dma_wait3A_452 = tpu.memref_slice %arg11[%dma_wait3A_449, %dma_wait3A_450, %dma_wait3A_451] : memref<8x125x32xf32, #tpu.memory_space<vmem>> -> memref<1x125x32xf32, #tpu.memory_space<vmem>>
      %dma_wait3A_453 = tpu.memref_squeeze %dma_wait3A_452 : memref<1x125x32xf32, #tpu.memory_space<vmem>> -> memref<125x32xf32, #tpu.memory_space<vmem>>
      %dma_wait3A_454 = arith.constant 0 : i32
      %dma_wait3A_455 = tpu.memref_slice %arg10[%add3A_212, %dma_wait3A_454] : memref<80x125xi32, #tpu.memory_space<vmem>> -> memref<1x125xi32, #tpu.memory_space<vmem>>
      %dma_wait3A_456 = tpu.memref_squeeze %dma_wait3A_455 : memref<1x125xi32, #tpu.memory_space<vmem>> -> memref<125xi32, #tpu.memory_space<vmem>>
      %dma_wait3A_457 = arith.constant 0 : i32
      %dma_wait3A_458 = arith.constant 0 : i32
      %dma_wait3A_459 = tpu.memref_slice %arg15[%dma_wait3A_457, %dma_wait3A_458] : memref<10240x32xf32, #tpu.memory_space<vmem_shared>> -> memref<10240x32xf32, #tpu.memory_space<vmem_shared>>
      tpu.wait_indirect_dma semaphore(%arg19 : memref<!tpu.dma_semaphore, #tpu.memory_space<semaphore_mem>>) src(%dma_wait3A_453 : memref<125x32xf32, #tpu.memory_space<vmem>>) dst(%dma_wait3A_459 : memref<10240x32xf32, #tpu.memory_space<vmem_shared>>)
      %dma_wait3A_460 = arith.constant 0 : i32
      %dma_wait3A_461 = tpu.memref_slice %arg14[%dma_wait3A_460] : memref<128xf32, #tpu.memory_space<vmem>> -> memref<125xf32, #tpu.memory_space<vmem>>
      %dma_wait3A_462 = arith.constant 0 : i32
      %dma_wait3A_463 = tpu.memref_slice %arg10[%add3A_225, %dma_wait3A_462] : memref<80x125xi32, #tpu.memory_space<vmem>> -> memref<1x125xi32, #tpu.memory_space<vmem>>
      %dma_wait3A_464 = tpu.memref_squeeze %dma_wait3A_463 : memref<1x125xi32, #tpu.memory_space<vmem>> -> memref<125xi32, #tpu.memory_space<vmem>>
      %dma_wait3A_465 = arith.constant 0 : i32
      %dma_wait3A_466 = tpu.memref_slice %arg16[%dma_wait3A_465] : memref<10240xf32, #tpu.memory_space<vmem_shared>> -> memref<10240xf32, #tpu.memory_space<vmem_shared>>
      tpu.wait_indirect_dma semaphore(%arg19 : memref<!tpu.dma_semaphore, #tpu.memory_space<semaphore_mem>>) src(%dma_wait3A_461 : memref<125xf32, #tpu.memory_space<vmem>>) dst(%dma_wait3A_466 : memref<10240xf32, #tpu.memory_space<vmem_shared>>)
      %dma_wait3A_467 = arith.constant 2 : i32
      %dma_wait3A_468 = arith.constant 0 : i32
      %dma_wait3A_469 = arith.constant 0 : i32
      %dma_wait3A_470 = tpu.memref_slice %arg11[%dma_wait3A_467, %dma_wait3A_468, %dma_wait3A_469] : memref<8x125x32xf32, #tpu.memory_space<vmem>> -> memref<1x125x32xf32, #tpu.memory_space<vmem>>
      %dma_wait3A_471 = tpu.memref_squeeze %dma_wait3A_470 : memref<1x125x32xf32, #tpu.memory_space<vmem>> -> memref<125x32xf32, #tpu.memory_space<vmem>>
      %dma_wait3A_472 = arith.constant 0 : i32
      %dma_wait3A_473 = tpu.memref_slice %arg10[%add3A_245, %dma_wait3A_472] : memref<80x125xi32, #tpu.memory_space<vmem>> -> memref<1x125xi32, #tpu.memory_space<vmem>>
      %dma_wait3A_474 = tpu.memref_squeeze %dma_wait3A_473 : memref<1x125xi32, #tpu.memory_space<vmem>> -> memref<125xi32, #tpu.memory_space<vmem>>
      %dma_wait3A_475 = arith.constant 0 : i32
      %dma_wait3A_476 = arith.constant 0 : i32
      %dma_wait3A_477 = tpu.memref_slice %arg15[%dma_wait3A_475, %dma_wait3A_476] : memref<10240x32xf32, #tpu.memory_space<vmem_shared>> -> memref<10240x32xf32, #tpu.memory_space<vmem_shared>>
      tpu.wait_indirect_dma semaphore(%arg19 : memref<!tpu.dma_semaphore, #tpu.memory_space<semaphore_mem>>) src(%dma_wait3A_471 : memref<125x32xf32, #tpu.memory_space<vmem>>) dst(%dma_wait3A_477 : memref<10240x32xf32, #tpu.memory_space<vmem_shared>>)
      %dma_wait3A_478 = arith.constant 0 : i32
      %dma_wait3A_479 = tpu.memref_slice %arg14[%dma_wait3A_478] : memref<128xf32, #tpu.memory_space<vmem>> -> memref<125xf32, #tpu.memory_space<vmem>>
      %dma_wait3A_480 = arith.constant 0 : i32
      %dma_wait3A_481 = tpu.memref_slice %arg10[%add3A_258, %dma_wait3A_480] : memref<80x125xi32, #tpu.memory_space<vmem>> -> memref<1x125xi32, #tpu.memory_space<vmem>>
      %dma_wait3A_482 = tpu.memref_squeeze %dma_wait3A_481 : memref<1x125xi32, #tpu.memory_space<vmem>> -> memref<125xi32, #tpu.memory_space<vmem>>
      %dma_wait3A_483 = arith.constant 0 : i32
      %dma_wait3A_484 = tpu.memref_slice %arg16[%dma_wait3A_483] : memref<10240xf32, #tpu.memory_space<vmem_shared>> -> memref<10240xf32, #tpu.memory_space<vmem_shared>>
      tpu.wait_indirect_dma semaphore(%arg19 : memref<!tpu.dma_semaphore, #tpu.memory_space<semaphore_mem>>) src(%dma_wait3A_479 : memref<125xf32, #tpu.memory_space<vmem>>) dst(%dma_wait3A_484 : memref<10240xf32, #tpu.memory_space<vmem_shared>>)
      %dma_wait3A_485 = arith.constant 3 : i32
      %dma_wait3A_486 = arith.constant 0 : i32
      %dma_wait3A_487 = arith.constant 0 : i32
      %dma_wait3A_488 = tpu.memref_slice %arg11[%dma_wait3A_485, %dma_wait3A_486, %dma_wait3A_487] : memref<8x125x32xf32, #tpu.memory_space<vmem>> -> memref<1x125x32xf32, #tpu.memory_space<vmem>>
      %dma_wait3A_489 = tpu.memref_squeeze %dma_wait3A_488 : memref<1x125x32xf32, #tpu.memory_space<vmem>> -> memref<125x32xf32, #tpu.memory_space<vmem>>
      %dma_wait3A_490 = arith.constant 0 : i32
      %dma_wait3A_491 = tpu.memref_slice %arg10[%add3A_278, %dma_wait3A_490] : memref<80x125xi32, #tpu.memory_space<vmem>> -> memref<1x125xi32, #tpu.memory_space<vmem>>
      %dma_wait3A_492 = tpu.memref_squeeze %dma_wait3A_491 : memref<1x125xi32, #tpu.memory_space<vmem>> -> memref<125xi32, #tpu.memory_space<vmem>>
      %dma_wait3A_493 = arith.constant 0 : i32
      %dma_wait3A_494 = arith.constant 0 : i32
      %dma_wait3A_495 = tpu.memref_slice %arg15[%dma_wait3A_493, %dma_wait3A_494] : memref<10240x32xf32, #tpu.memory_space<vmem_shared>> -> memref<10240x32xf32, #tpu.memory_space<vmem_shared>>
      tpu.wait_indirect_dma semaphore(%arg19 : memref<!tpu.dma_semaphore, #tpu.memory_space<semaphore_mem>>) src(%dma_wait3A_489 : memref<125x32xf32, #tpu.memory_space<vmem>>) dst(%dma_wait3A_495 : memref<10240x32xf32, #tpu.memory_space<vmem_shared>>)
      %dma_wait3A_496 = arith.constant 0 : i32
      %dma_wait3A_497 = tpu.memref_slice %arg14[%dma_wait3A_496] : memref<128xf32, #tpu.memory_space<vmem>> -> memref<125xf32, #tpu.memory_space<vmem>>
      %dma_wait3A_498 = arith.constant 0 : i32
      %dma_wait3A_499 = tpu.memref_slice %arg10[%add3A_291, %dma_wait3A_498] : memref<80x125xi32, #tpu.memory_space<vmem>> -> memref<1x125xi32, #tpu.memory_space<vmem>>
      %dma_wait3A_500 = tpu.memref_squeeze %dma_wait3A_499 : memref<1x125xi32, #tpu.memory_space<vmem>> -> memref<125xi32, #tpu.memory_space<vmem>>
      %dma_wait3A_501 = arith.constant 0 : i32
      %dma_wait3A_502 = tpu.memref_slice %arg16[%dma_wait3A_501] : memref<10240xf32, #tpu.memory_space<vmem_shared>> -> memref<10240xf32, #tpu.memory_space<vmem_shared>>
      tpu.wait_indirect_dma semaphore(%arg19 : memref<!tpu.dma_semaphore, #tpu.memory_space<semaphore_mem>>) src(%dma_wait3A_497 : memref<125xf32, #tpu.memory_space<vmem>>) dst(%dma_wait3A_502 : memref<10240xf32, #tpu.memory_space<vmem_shared>>)
      %dma_wait3A_503 = arith.constant 4 : i32
      %dma_wait3A_504 = arith.constant 0 : i32
      %dma_wait3A_505 = arith.constant 0 : i32
      %dma_wait3A_506 = tpu.memref_slice %arg11[%dma_wait3A_503, %dma_wait3A_504, %dma_wait3A_505] : memref<8x125x32xf32, #tpu.memory_space<vmem>> -> memref<1x125x32xf32, #tpu.memory_space<vmem>>
      %dma_wait3A_507 = tpu.memref_squeeze %dma_wait3A_506 : memref<1x125x32xf32, #tpu.memory_space<vmem>> -> memref<125x32xf32, #tpu.memory_space<vmem>>
      %dma_wait3A_508 = arith.constant 0 : i32
      %dma_wait3A_509 = tpu.memref_slice %arg10[%add3A_311, %dma_wait3A_508] : memref<80x125xi32, #tpu.memory_space<vmem>> -> memref<1x125xi32, #tpu.memory_space<vmem>>
      %dma_wait3A_510 = tpu.memref_squeeze %dma_wait3A_509 : memref<1x125xi32, #tpu.memory_space<vmem>> -> memref<125xi32, #tpu.memory_space<vmem>>
      %dma_wait3A_511 = arith.constant 0 : i32
      %dma_wait3A_512 = arith.constant 0 : i32
      %dma_wait3A_513 = tpu.memref_slice %arg15[%dma_wait3A_511, %dma_wait3A_512] : memref<10240x32xf32, #tpu.memory_space<vmem_shared>> -> memref<10240x32xf32, #tpu.memory_space<vmem_shared>>
      tpu.wait_indirect_dma semaphore(%arg19 : memref<!tpu.dma_semaphore, #tpu.memory_space<semaphore_mem>>) src(%dma_wait3A_507 : memref<125x32xf32, #tpu.memory_space<vmem>>) dst(%dma_wait3A_513 : memref<10240x32xf32, #tpu.memory_space<vmem_shared>>)
      %dma_wait3A_514 = arith.constant 0 : i32
      %dma_wait3A_515 = tpu.memref_slice %arg14[%dma_wait3A_514] : memref<128xf32, #tpu.memory_space<vmem>> -> memref<125xf32, #tpu.memory_space<vmem>>
      %dma_wait3A_516 = arith.constant 0 : i32
      %dma_wait3A_517 = tpu.memref_slice %arg10[%add3A_324, %dma_wait3A_516] : memref<80x125xi32, #tpu.memory_space<vmem>> -> memref<1x125xi32, #tpu.memory_space<vmem>>
      %dma_wait3A_518 = tpu.memref_squeeze %dma_wait3A_517 : memref<1x125xi32, #tpu.memory_space<vmem>> -> memref<125xi32, #tpu.memory_space<vmem>>
      %dma_wait3A_519 = arith.constant 0 : i32
      %dma_wait3A_520 = tpu.memref_slice %arg16[%dma_wait3A_519] : memref<10240xf32, #tpu.memory_space<vmem_shared>> -> memref<10240xf32, #tpu.memory_space<vmem_shared>>
      tpu.wait_indirect_dma semaphore(%arg19 : memref<!tpu.dma_semaphore, #tpu.memory_space<semaphore_mem>>) src(%dma_wait3A_515 : memref<125xf32, #tpu.memory_space<vmem>>) dst(%dma_wait3A_520 : memref<10240xf32, #tpu.memory_space<vmem_shared>>)
      %dma_wait3A_521 = arith.constant 5 : i32
      %dma_wait3A_522 = arith.constant 0 : i32
      %dma_wait3A_523 = arith.constant 0 : i32
      %dma_wait3A_524 = tpu.memref_slice %arg11[%dma_wait3A_521, %dma_wait3A_522, %dma_wait3A_523] : memref<8x125x32xf32, #tpu.memory_space<vmem>> -> memref<1x125x32xf32, #tpu.memory_space<vmem>>
      %dma_wait3A_525 = tpu.memref_squeeze %dma_wait3A_524 : memref<1x125x32xf32, #tpu.memory_space<vmem>> -> memref<125x32xf32, #tpu.memory_space<vmem>>
      %dma_wait3A_526 = arith.constant 0 : i32
      %dma_wait3A_527 = tpu.memref_slice %arg10[%add3A_344, %dma_wait3A_526] : memref<80x125xi32, #tpu.memory_space<vmem>> -> memref<1x125xi32, #tpu.memory_space<vmem>>
      %dma_wait3A_528 = tpu.memref_squeeze %dma_wait3A_527 : memref<1x125xi32, #tpu.memory_space<vmem>> -> memref<125xi32, #tpu.memory_space<vmem>>
      %dma_wait3A_529 = arith.constant 0 : i32
      %dma_wait3A_530 = arith.constant 0 : i32
      %dma_wait3A_531 = tpu.memref_slice %arg15[%dma_wait3A_529, %dma_wait3A_530] : memref<10240x32xf32, #tpu.memory_space<vmem_shared>> -> memref<10240x32xf32, #tpu.memory_space<vmem_shared>>
      tpu.wait_indirect_dma semaphore(%arg19 : memref<!tpu.dma_semaphore, #tpu.memory_space<semaphore_mem>>) src(%dma_wait3A_525 : memref<125x32xf32, #tpu.memory_space<vmem>>) dst(%dma_wait3A_531 : memref<10240x32xf32, #tpu.memory_space<vmem_shared>>)
      %dma_wait3A_532 = arith.constant 0 : i32
      %dma_wait3A_533 = tpu.memref_slice %arg14[%dma_wait3A_532] : memref<128xf32, #tpu.memory_space<vmem>> -> memref<125xf32, #tpu.memory_space<vmem>>
      %dma_wait3A_534 = arith.constant 0 : i32
      %dma_wait3A_535 = tpu.memref_slice %arg10[%add3A_357, %dma_wait3A_534] : memref<80x125xi32, #tpu.memory_space<vmem>> -> memref<1x125xi32, #tpu.memory_space<vmem>>
      %dma_wait3A_536 = tpu.memref_squeeze %dma_wait3A_535 : memref<1x125xi32, #tpu.memory_space<vmem>> -> memref<125xi32, #tpu.memory_space<vmem>>
      %dma_wait3A_537 = arith.constant 0 : i32
      %dma_wait3A_538 = tpu.memref_slice %arg16[%dma_wait3A_537] : memref<10240xf32, #tpu.memory_space<vmem_shared>> -> memref<10240xf32, #tpu.memory_space<vmem_shared>>
      tpu.wait_indirect_dma semaphore(%arg19 : memref<!tpu.dma_semaphore, #tpu.memory_space<semaphore_mem>>) src(%dma_wait3A_533 : memref<125xf32, #tpu.memory_space<vmem>>) dst(%dma_wait3A_538 : memref<10240xf32, #tpu.memory_space<vmem_shared>>)
      %dma_wait3A_539 = arith.constant 6 : i32
      %dma_wait3A_540 = arith.constant 0 : i32
      %dma_wait3A_541 = arith.constant 0 : i32
      %dma_wait3A_542 = tpu.memref_slice %arg11[%dma_wait3A_539, %dma_wait3A_540, %dma_wait3A_541] : memref<8x125x32xf32, #tpu.memory_space<vmem>> -> memref<1x125x32xf32, #tpu.memory_space<vmem>>
      %dma_wait3A_543 = tpu.memref_squeeze %dma_wait3A_542 : memref<1x125x32xf32, #tpu.memory_space<vmem>> -> memref<125x32xf32, #tpu.memory_space<vmem>>
      %dma_wait3A_544 = arith.constant 0 : i32
      %dma_wait3A_545 = tpu.memref_slice %arg10[%add3A_377, %dma_wait3A_544] : memref<80x125xi32, #tpu.memory_space<vmem>> -> memref<1x125xi32, #tpu.memory_space<vmem>>
      %dma_wait3A_546 = tpu.memref_squeeze %dma_wait3A_545 : memref<1x125xi32, #tpu.memory_space<vmem>> -> memref<125xi32, #tpu.memory_space<vmem>>
      %dma_wait3A_547 = arith.constant 0 : i32
      %dma_wait3A_548 = arith.constant 0 : i32
      %dma_wait3A_549 = tpu.memref_slice %arg15[%dma_wait3A_547, %dma_wait3A_548] : memref<10240x32xf32, #tpu.memory_space<vmem_shared>> -> memref<10240x32xf32, #tpu.memory_space<vmem_shared>>
      tpu.wait_indirect_dma semaphore(%arg19 : memref<!tpu.dma_semaphore, #tpu.memory_space<semaphore_mem>>) src(%dma_wait3A_543 : memref<125x32xf32, #tpu.memory_space<vmem>>) dst(%dma_wait3A_549 : memref<10240x32xf32, #tpu.memory_space<vmem_shared>>)
      %dma_wait3A_550 = arith.constant 0 : i32
      %dma_wait3A_551 = tpu.memref_slice %arg14[%dma_wait3A_550] : memref<128xf32, #tpu.memory_space<vmem>> -> memref<125xf32, #tpu.memory_space<vmem>>
      %dma_wait3A_552 = arith.constant 0 : i32
      %dma_wait3A_553 = tpu.memref_slice %arg10[%add3A_390, %dma_wait3A_552] : memref<80x125xi32, #tpu.memory_space<vmem>> -> memref<1x125xi32, #tpu.memory_space<vmem>>
      %dma_wait3A_554 = tpu.memref_squeeze %dma_wait3A_553 : memref<1x125xi32, #tpu.memory_space<vmem>> -> memref<125xi32, #tpu.memory_space<vmem>>
      %dma_wait3A_555 = arith.constant 0 : i32
      %dma_wait3A_556 = tpu.memref_slice %arg16[%dma_wait3A_555] : memref<10240xf32, #tpu.memory_space<vmem_shared>> -> memref<10240xf32, #tpu.memory_space<vmem_shared>>
      tpu.wait_indirect_dma semaphore(%arg19 : memref<!tpu.dma_semaphore, #tpu.memory_space<semaphore_mem>>) src(%dma_wait3A_551 : memref<125xf32, #tpu.memory_space<vmem>>) dst(%dma_wait3A_556 : memref<10240xf32, #tpu.memory_space<vmem_shared>>)
      %dma_wait3A_557 = arith.constant 7 : i32
      %dma_wait3A_558 = arith.constant 0 : i32
      %dma_wait3A_559 = arith.constant 0 : i32
      %dma_wait3A_560 = tpu.memref_slice %arg11[%dma_wait3A_557, %dma_wait3A_558, %dma_wait3A_559] : memref<8x125x32xf32, #tpu.memory_space<vmem>> -> memref<1x125x32xf32, #tpu.memory_space<vmem>>
      %dma_wait3A_561 = tpu.memref_squeeze %dma_wait3A_560 : memref<1x125x32xf32, #tpu.memory_space<vmem>> -> memref<125x32xf32, #tpu.memory_space<vmem>>
      %dma_wait3A_562 = arith.constant 0 : i32
      %dma_wait3A_563 = tpu.memref_slice %arg10[%add3A_410, %dma_wait3A_562] : memref<80x125xi32, #tpu.memory_space<vmem>> -> memref<1x125xi32, #tpu.memory_space<vmem>>
      %dma_wait3A_564 = tpu.memref_squeeze %dma_wait3A_563 : memref<1x125xi32, #tpu.memory_space<vmem>> -> memref<125xi32, #tpu.memory_space<vmem>>
      %dma_wait3A_565 = arith.constant 0 : i32
      %dma_wait3A_566 = arith.constant 0 : i32
      %dma_wait3A_567 = tpu.memref_slice %arg15[%dma_wait3A_565, %dma_wait3A_566] : memref<10240x32xf32, #tpu.memory_space<vmem_shared>> -> memref<10240x32xf32, #tpu.memory_space<vmem_shared>>
      tpu.wait_indirect_dma semaphore(%arg19 : memref<!tpu.dma_semaphore, #tpu.memory_space<semaphore_mem>>) src(%dma_wait3A_561 : memref<125x32xf32, #tpu.memory_space<vmem>>) dst(%dma_wait3A_567 : memref<10240x32xf32, #tpu.memory_space<vmem_shared>>)
      %dma_wait3A_568 = arith.constant 0 : i32
      %dma_wait3A_569 = tpu.memref_slice %arg14[%dma_wait3A_568] : memref<128xf32, #tpu.memory_space<vmem>> -> memref<125xf32, #tpu.memory_space<vmem>>
      %dma_wait3A_570 = arith.constant 0 : i32
      %dma_wait3A_571 = tpu.memref_slice %arg10[%add3A_423, %dma_wait3A_570] : memref<80x125xi32, #tpu.memory_space<vmem>> -> memref<1x125xi32, #tpu.memory_space<vmem>>
      %dma_wait3A_572 = tpu.memref_squeeze %dma_wait3A_571 : memref<1x125xi32, #tpu.memory_space<vmem>> -> memref<125xi32, #tpu.memory_space<vmem>>
      %dma_wait3A_573 = arith.constant 0 : i32
      %dma_wait3A_574 = tpu.memref_slice %arg16[%dma_wait3A_573] : memref<10240xf32, #tpu.memory_space<vmem_shared>> -> memref<10240xf32, #tpu.memory_space<vmem_shared>>
      tpu.wait_indirect_dma semaphore(%arg19 : memref<!tpu.dma_semaphore, #tpu.memory_space<semaphore_mem>>) src(%dma_wait3A_569 : memref<125xf32, #tpu.memory_space<vmem>>) dst(%dma_wait3A_574 : memref<10240xf32, #tpu.memory_space<vmem_shared>>)
      %scan3A_575 = arith.constant 0 : i32
      scf.yield %scan3A_575 : i32
    }
    %scan3A_52 = arith.constant 10 : i32
    %barrier3A_53 = arith.constant 0 : index
    tpu.barrier barrier_id(%barrier3A_53)
    %eq3A = arith.constant 0 : i32
    %eq3A_54 = arith.cmpi eq, %arg0, %eq3A : i32
    %convert_element_type3A = arith.extui %eq3A_54 : i1 to i32
    %cond3A = arith.constant 0 : i32
    %cond3A_55 = arith.cmpi ne, %convert_element_type3A, %cond3A : i32
    scf.if %cond3A_55 {
      "tpu.region"() ({
        %run_scoped3A = tpu.sem_alloc : memref<!tpu.dma_semaphore, #tpu.memory_space<semaphore_mem>>
        %dma_start3A = arith.constant 0 : i32
        %dma_start3A_61 = tpu.memref_slice %arg5[%mul3A_45, %dma_start3A] : memref<10240x32xf32, #tpu.memory_space<hbm>> -> memref<640x32xf32, #tpu.memory_space<hbm>>
        %dma_start3A_62 = arith.constant 0 : i32
        %dma_start3A_63 = tpu.memref_slice %arg15[%mul3A_45, %dma_start3A_62] : memref<10240x32xf32, #tpu.memory_space<vmem_shared>> -> memref<640x32xf32, #tpu.memory_space<vmem_shared>>
        tpu.enqueue_dma source(%dma_start3A_63 : memref<640x32xf32, #tpu.memory_space<vmem_shared>>) target(%dma_start3A_61 : memref<640x32xf32, #tpu.memory_space<hbm>>) target_semaphore(%run_scoped3A : memref<!tpu.dma_semaphore, #tpu.memory_space<semaphore_mem>>)
        %dma_wait3A = arith.constant 0 : i32
        %dma_wait3A_64 = tpu.memref_slice %arg5[%mul3A_45, %dma_wait3A] : memref<10240x32xf32, #tpu.memory_space<hbm>> -> memref<640x32xf32, #tpu.memory_space<hbm>>
        %dma_wait3A_65 = arith.constant 0 : i32
        %dma_wait3A_66 = tpu.memref_slice %arg15[%mul3A_45, %dma_wait3A_65] : memref<10240x32xf32, #tpu.memory_space<vmem_shared>> -> memref<640x32xf32, #tpu.memory_space<vmem_shared>>
        tpu.wait_dma2 semaphore(%run_scoped3A : memref<!tpu.dma_semaphore, #tpu.memory_space<semaphore_mem>>) src(%dma_wait3A_66 : memref<640x32xf32, #tpu.memory_space<vmem_shared>>) dst(%dma_wait3A_64 : memref<640x32xf32, #tpu.memory_space<hbm>>)
        tpu.yield
      }) : () -> ()
      "tpu.region"() ({
        %run_scoped3A = tpu.sem_alloc : memref<!tpu.dma_semaphore, #tpu.memory_space<semaphore_mem>>
        %dma_start3A = tpu.memref_slice %arg7[%mul3A_45] : memref<10240xf32, #tpu.memory_space<hbm>> -> memref<640xf32, #tpu.memory_space<hbm>>
        %dma_start3A_61 = tpu.memref_slice %arg16[%mul3A_45] : memref<10240xf32, #tpu.memory_space<vmem_shared>> -> memref<640xf32, #tpu.memory_space<vmem_shared>>
        tpu.enqueue_dma source(%dma_start3A_61 : memref<640xf32, #tpu.memory_space<vmem_shared>>) target(%dma_start3A : memref<640xf32, #tpu.memory_space<hbm>>) target_semaphore(%run_scoped3A : memref<!tpu.dma_semaphore, #tpu.memory_space<semaphore_mem>>)
        %dma_wait3A = tpu.memref_slice %arg7[%mul3A_45] : memref<10240xf32, #tpu.memory_space<hbm>> -> memref<640xf32, #tpu.memory_space<hbm>>
        %dma_wait3A_62 = tpu.memref_slice %arg16[%mul3A_45] : memref<10240xf32, #tpu.memory_space<vmem_shared>> -> memref<640xf32, #tpu.memory_space<vmem_shared>>
        tpu.wait_dma2 semaphore(%run_scoped3A : memref<!tpu.dma_semaphore, #tpu.memory_space<semaphore_mem>>) src(%dma_wait3A_62 : memref<640xf32, #tpu.memory_space<vmem_shared>>) dst(%dma_wait3A : memref<640xf32, #tpu.memory_space<hbm>>)
        tpu.yield
      }) : () -> ()
    } else {
    }
    %eq3A_56 = arith.constant 1 : i32
    %eq3A_57 = arith.cmpi eq, %arg0, %eq3A_56 : i32
    %convert_element_type3A_58 = arith.extui %eq3A_57 : i1 to i32
    %cond3A_59 = arith.constant 0 : i32
    %cond3A_60 = arith.cmpi ne, %convert_element_type3A_58, %cond3A_59 : i32
    scf.if %cond3A_60 {
      "tpu.region"() ({
        %run_scoped3A = tpu.sem_alloc : memref<!tpu.dma_semaphore, #tpu.memory_space<semaphore_mem>>
        %dma_start3A = arith.constant 0 : i32
        %dma_start3A_61 = tpu.memref_slice %arg6[%mul3A_45, %dma_start3A] : memref<10240x32xf32, #tpu.memory_space<hbm>> -> memref<640x32xf32, #tpu.memory_space<hbm>>
        %dma_start3A_62 = arith.constant 0 : i32
        %dma_start3A_63 = tpu.memref_slice %arg15[%mul3A_45, %dma_start3A_62] : memref<10240x32xf32, #tpu.memory_space<vmem_shared>> -> memref<640x32xf32, #tpu.memory_space<vmem_shared>>
        tpu.enqueue_dma source(%dma_start3A_63 : memref<640x32xf32, #tpu.memory_space<vmem_shared>>) target(%dma_start3A_61 : memref<640x32xf32, #tpu.memory_space<hbm>>) target_semaphore(%run_scoped3A : memref<!tpu.dma_semaphore, #tpu.memory_space<semaphore_mem>>)
        %dma_wait3A = arith.constant 0 : i32
        %dma_wait3A_64 = tpu.memref_slice %arg6[%mul3A_45, %dma_wait3A] : memref<10240x32xf32, #tpu.memory_space<hbm>> -> memref<640x32xf32, #tpu.memory_space<hbm>>
        %dma_wait3A_65 = arith.constant 0 : i32
        %dma_wait3A_66 = tpu.memref_slice %arg15[%mul3A_45, %dma_wait3A_65] : memref<10240x32xf32, #tpu.memory_space<vmem_shared>> -> memref<640x32xf32, #tpu.memory_space<vmem_shared>>
        tpu.wait_dma2 semaphore(%run_scoped3A : memref<!tpu.dma_semaphore, #tpu.memory_space<semaphore_mem>>) src(%dma_wait3A_66 : memref<640x32xf32, #tpu.memory_space<vmem_shared>>) dst(%dma_wait3A_64 : memref<640x32xf32, #tpu.memory_space<hbm>>)
        tpu.yield
      }) : () -> ()
      "tpu.region"() ({
        %run_scoped3A = tpu.sem_alloc : memref<!tpu.dma_semaphore, #tpu.memory_space<semaphore_mem>>
        %dma_start3A = tpu.memref_slice %arg8[%mul3A_45] : memref<10240xf32, #tpu.memory_space<hbm>> -> memref<640xf32, #tpu.memory_space<hbm>>
        %dma_start3A_61 = tpu.memref_slice %arg16[%mul3A_45] : memref<10240xf32, #tpu.memory_space<vmem_shared>> -> memref<640xf32, #tpu.memory_space<vmem_shared>>
        tpu.enqueue_dma source(%dma_start3A_61 : memref<640xf32, #tpu.memory_space<vmem_shared>>) target(%dma_start3A : memref<640xf32, #tpu.memory_space<hbm>>) target_semaphore(%run_scoped3A : memref<!tpu.dma_semaphore, #tpu.memory_space<semaphore_mem>>)
        %dma_wait3A = tpu.memref_slice %arg8[%mul3A_45] : memref<10240xf32, #tpu.memory_space<hbm>> -> memref<640xf32, #tpu.memory_space<hbm>>
        %dma_wait3A_62 = tpu.memref_slice %arg16[%mul3A_45] : memref<10240xf32, #tpu.memory_space<vmem_shared>> -> memref<640xf32, #tpu.memory_space<vmem_shared>>
        tpu.wait_dma2 semaphore(%run_scoped3A : memref<!tpu.dma_semaphore, #tpu.memory_space<semaphore_mem>>) src(%dma_wait3A_62 : memref<640xf32, #tpu.memory_space<vmem_shared>>) dst(%dma_wait3A : memref<640xf32, #tpu.memory_space<hbm>>)
        tpu.yield
      }) : () -> ()
    } else {
    }
    return
  }
}

module attributes {stable_mosaic.version = 14 : i64} {
  func.func @_mm_body(%arg0: memref<10000x128xf32, #tpu.memory_space<vmem>>, %arg1: memref<128x32xf32, #tpu.memory_space<vmem>>, %arg2: memref<128x32xf32, #tpu.memory_space<vmem>>, %arg3: memref<10240x32xf32, #tpu.memory_space<vmem>>, %arg4: memref<10240x32xf32, #tpu.memory_space<vmem>>) attributes {dimension_semantics = [], scalar_prefetch = 0 : i64, scratch_operands = 0 : i64, tpu.core_type = #tpu.core_type<tc>} {
    %get3A = arith.constant 0 : index
    %get3A_0 = arith.constant 0 : index
    %get3A_1 = vector.load %arg0[%get3A, %get3A_0] : memref<10000x128xf32, #tpu.memory_space<vmem>>, vector<10000x128xf32>
    %get3A_2 = arith.constant 0 : index
    %get3A_3 = arith.constant 0 : index
    %get3A_4 = vector.load %arg1[%get3A_2, %get3A_3] : memref<128x32xf32, #tpu.memory_space<vmem>>, vector<128x32xf32>
    %dot_general3A = arith.constant dense<0.000000e+00> : vector<10000x32xf32>
    %dot_general3A_5 = tpu.matmul %get3A_1, %get3A_4, %dot_general3A {dimension_numbers = #tpu.dot_dimension_numbers<[1], [0], [0], [1], [0, 0, 1, 1], [], []>, transpose_lhs_hint = false} : vector<10000x128xf32>, vector<128x32xf32>, vector<10000x32xf32> -> vector<10000x32xf32>
    %swap3A = arith.constant 0 : index
    %swap3A_6 = arith.constant 0 : index
    %swap3A_7 = vector.load %arg3[%swap3A, %swap3A_6] : memref<10240x32xf32, #tpu.memory_space<vmem>>, vector<10000x32xf32>
    tpu.vector_store %arg3[%swap3A, %swap3A_6], %dot_general3A_5 {strides = array<i32>} : memref<10240x32xf32, #tpu.memory_space<vmem>>, vector<10000x32xf32>,
    %get3A_8 = arith.constant 0 : index
    %get3A_9 = arith.constant 0 : index
    %get3A_10 = vector.load %arg2[%get3A_8, %get3A_9] : memref<128x32xf32, #tpu.memory_space<vmem>>, vector<128x32xf32>
    %dot_general3A_11 = arith.constant dense<0.000000e+00> : vector<10000x32xf32>
    %dot_general3A_12 = tpu.matmul %get3A_1, %get3A_10, %dot_general3A_11 {dimension_numbers = #tpu.dot_dimension_numbers<[1], [0], [0], [1], [0, 0, 1, 1], [], []>, transpose_lhs_hint = false} : vector<10000x128xf32>, vector<128x32xf32>, vector<10000x32xf32> -> vector<10000x32xf32>
    %swap3A_13 = arith.constant 0 : index
    %swap3A_14 = arith.constant 0 : index
    %swap3A_15 = vector.load %arg4[%swap3A_13, %swap3A_14] : memref<10240x32xf32, #tpu.memory_space<vmem>>, vector<10000x32xf32>
    tpu.vector_store %arg4[%swap3A_13, %swap3A_14], %dot_general3A_12 {strides = array<i32>} : memref<10240x32xf32, #tpu.memory_space<vmem>>, vector<10000x32xf32>,
    return
  }
}

module attributes {stable_mosaic.version = 14 : i64} {
  func.func @_mid_body(%arg0: memref<10240x32xf32, #tpu.memory_space<vmem>>, %arg1: memref<10240x32xf32, #tpu.memory_space<vmem>>, %arg2: memref<10240x1xf32, #tpu.memory_space<vmem>>, %arg3: memref<10240x1xf32, #tpu.memory_space<vmem>>, %arg4: memref<10240x32xf32, #tpu.memory_space<vmem>>, %arg5: memref<1x32xf32, #tpu.memory_space<vmem>>, %arg6: memref<32x1xf32, #tpu.memory_space<vmem>>, %arg7: memref<32x1xf32, #tpu.memory_space<vmem>>, %arg8: memref<10240x1xf32, #tpu.memory_space<vmem>>, %arg9: memref<10240x1xf32, #tpu.memory_space<vmem>>, %arg10: memref<10240x1xf32, #tpu.memory_space<vmem>>) attributes {dimension_semantics = [], scalar_prefetch = 0 : i64, scratch_operands = 0 : i64, tpu.core_type = #tpu.core_type<tc>} {
    %get3A = arith.constant 0 : index
    %get3A_0 = arith.constant 0 : index
    %get3A_1 = vector.load %arg2[%get3A, %get3A_0] : memref<10240x1xf32, #tpu.memory_space<vmem>>, vector<10240x1xf32>
    %get3A_2 = arith.constant 0 : index
    %get3A_3 = arith.constant 0 : index
    %get3A_4 = vector.load %arg3[%get3A_2, %get3A_3] : memref<10240x1xf32, #tpu.memory_space<vmem>>, vector<10240x1xf32>
    %add3A = arith.addf %get3A_1, %get3A_4 : vector<10240x1xf32>
    %max3A = arith.constant 1.000000e+00 : f32
    %max3A_5 = vector.broadcast %max3A : f32 to vector<10240x1xf32>
    %max3A_6 = arith.maximumf %add3A, %max3A_5 : vector<10240x1xf32>
    %div3A = arith.constant 1.000000e+00 : f32
    %div3A_7 = vector.broadcast %div3A : f32 to vector<10240x1xf32>
    %div3A_8 = arith.divf %div3A_7, %max3A_6 : vector<10240x1xf32>
    %get3A_9 = arith.constant 0 : index
    %get3A_10 = arith.constant 0 : index
    %get3A_11 = vector.load %arg0[%get3A_9, %get3A_10] : memref<10240x32xf32, #tpu.memory_space<vmem>>, vector<10240x32xf32>
    %get3A_12 = arith.constant 0 : index
    %get3A_13 = arith.constant 0 : index
    %get3A_14 = vector.load %arg1[%get3A_12, %get3A_13] : memref<10240x32xf32, #tpu.memory_space<vmem>>, vector<10240x32xf32>
    %add3A_15 = arith.addf %get3A_11, %get3A_14 : vector<10240x32xf32>
    %mul3A = vector.broadcast %div3A_8 : vector<10240x1xf32> to vector<10240x32xf32>
    %mul3A_16 = arith.mulf %add3A_15, %mul3A : vector<10240x32xf32>
    %get3A_17 = arith.constant 0 : index
    %get3A_18 = arith.constant 0 : index
    %get3A_19 = vector.load %arg5[%get3A_17, %get3A_18] : memref<1x32xf32, #tpu.memory_space<vmem>>, vector<1x32xf32>
    %add3A_20 = vector.broadcast %get3A_19 : vector<1x32xf32> to vector<10240x32xf32>
    %add3A_21 = arith.addf %mul3A_16, %add3A_20 : vector<10240x32xf32>
    %get3A_22 = arith.constant 0 : index
    %get3A_23 = arith.constant 0 : index
    %get3A_24 = vector.load %arg4[%get3A_22, %get3A_23] : memref<10240x32xf32, #tpu.memory_space<vmem>>, vector<10240x32xf32>
    %add3A_25 = arith.addf %add3A_21, %get3A_24 : vector<10240x32xf32>
    %max3A_26 = arith.constant 0.000000e+00 : f32
    %max3A_27 = vector.broadcast %max3A_26 : f32 to vector<10240x32xf32>
    %max3A_28 = arith.maximumf %add3A_25, %max3A_27 : vector<10240x32xf32>
    %get3A_29 = arith.constant 0 : index
    %get3A_30 = arith.constant 0 : index
    %get3A_31 = vector.load %arg6[%get3A_29, %get3A_30] : memref<32x1xf32, #tpu.memory_space<vmem>>, vector<32x1xf32>
    %dot_general3A = arith.constant dense<0.000000e+00> : vector<10240x1xf32>
    %dot_general3A_32 = tpu.matmul %max3A_28, %get3A_31, %dot_general3A {dimension_numbers = #tpu.dot_dimension_numbers<[1], [0], [0], [1], [0, 0, 1, 1], [], []>, transpose_lhs_hint = false} : vector<10240x32xf32>, vector<32x1xf32>, vector<10240x1xf32> -> vector<10240x1xf32>
    %swap3A = arith.constant 0 : index
    %swap3A_33 = arith.constant 0 : index
    %swap3A_34 = vector.load %arg8[%swap3A, %swap3A_33] : memref<10240x1xf32, #tpu.memory_space<vmem>>, vector<10240x1xf32>
    tpu.vector_store %arg8[%swap3A, %swap3A_33], %dot_general3A_32 {strides = array<i32>} : memref<10240x1xf32, #tpu.memory_space<vmem>>, vector<10240x1xf32>,
    %get3A_35 = arith.constant 0 : index
    %get3A_36 = arith.constant 0 : index
    %get3A_37 = vector.load %arg7[%get3A_35, %get3A_36] : memref<32x1xf32, #tpu.memory_space<vmem>>, vector<32x1xf32>
    %dot_general3A_38 = arith.constant dense<0.000000e+00> : vector<10240x1xf32>
    %dot_general3A_39 = tpu.matmul %max3A_28, %get3A_37, %dot_general3A_38 {dimension_numbers = #tpu.dot_dimension_numbers<[1], [0], [0], [1], [0, 0, 1, 1], [], []>, transpose_lhs_hint = false} : vector<10240x32xf32>, vector<32x1xf32>, vector<10240x1xf32> -> vector<10240x1xf32>
    %swap3A_40 = arith.constant 0 : index
    %swap3A_41 = arith.constant 0 : index
    %swap3A_42 = vector.load %arg9[%swap3A_40, %swap3A_41] : memref<10240x1xf32, #tpu.memory_space<vmem>>, vector<10240x1xf32>
    tpu.vector_store %arg9[%swap3A_40, %swap3A_41], %dot_general3A_39 {strides = array<i32>} : memref<10240x1xf32, #tpu.memory_space<vmem>>, vector<10240x1xf32>,
    %swap3A_43 = arith.constant 0 : index
    %swap3A_44 = arith.constant 0 : index
    %swap3A_45 = vector.load %arg10[%swap3A_43, %swap3A_44] : memref<10240x1xf32, #tpu.memory_space<vmem>>, vector<10240x1xf32>
    tpu.vector_store %arg10[%swap3A_43, %swap3A_44], %div3A_8 {strides = array<i32>} : memref<10240x1xf32, #tpu.memory_space<vmem>>, vector<10240x1xf32>,
    return
  }
}

module attributes {stable_mosaic.version = 14 : i64} {
  func.func @_fin_body(%arg0: memref<32x10240xf32, #tpu.memory_space<vmem>>, %arg1: memref<10240x1xf32, #tpu.memory_space<vmem>>, %arg2: memref<10240x1xf32, #tpu.memory_space<vmem>>, %arg3: memref<1x1xf32, #tpu.memory_space<vmem>>, %arg4: memref<10240x1xf32, #tpu.memory_space<vmem>>) attributes {dimension_semantics = [], scalar_prefetch = 0 : i64, scratch_operands = 0 : i64, tpu.core_type = #tpu.core_type<tc>} {
    %broadcast_in_dim3A = arith.constant 1.000000e+00 : f32
    %broadcast_in_dim3A_0 = vector.broadcast %broadcast_in_dim3A : f32 to vector<32x1xf32>
    %get3A = arith.constant 0 : index
    %get3A_1 = arith.constant 0 : index
    %get3A_2 = vector.load %arg0[%get3A, %get3A_1] : memref<32x10240xf32, #tpu.memory_space<vmem>>, vector<32x10240xf32>
    %dot_general3A = arith.constant dense<0.000000e+00> : vector<10240x1xf32>
    %dot_general3A_3 = tpu.matmul %get3A_2, %broadcast_in_dim3A_0, %dot_general3A {dimension_numbers = #tpu.dot_dimension_numbers<[0], [0], [1], [1], [0, 1, 1, 1], [], []>, transpose_lhs_hint = false} : vector<32x10240xf32>, vector<32x1xf32>, vector<10240x1xf32> -> vector<10240x1xf32>
    %get3A_4 = arith.constant 0 : index
    %get3A_5 = arith.constant 0 : index
    %get3A_6 = vector.load %arg1[%get3A_4, %get3A_5] : memref<10240x1xf32, #tpu.memory_space<vmem>>, vector<10240x1xf32>
    %mul3A = arith.mulf %dot_general3A_3, %get3A_6 : vector<10240x1xf32>
    %get3A_7 = arith.constant 0 : index
    %get3A_8 = arith.constant 0 : index
    %get3A_9 = vector.load %arg3[%get3A_7, %get3A_8] : memref<1x1xf32, #tpu.memory_space<vmem>>, vector<1x1xf32>
    %add3A = vector.broadcast %get3A_9 : vector<1x1xf32> to vector<10240x1xf32>
    %add3A_10 = arith.addf %mul3A, %add3A : vector<10240x1xf32>
    %get3A_11 = arith.constant 0 : index
    %get3A_12 = arith.constant 0 : index
    %get3A_13 = vector.load %arg2[%get3A_11, %get3A_12] : memref<10240x1xf32, #tpu.memory_space<vmem>>, vector<10240x1xf32>
    %add3A_14 = arith.addf %add3A_10, %get3A_13 : vector<10240x1xf32>
    %swap3A = arith.constant 0 : index
    %swap3A_15 = arith.constant 0 : index
    %swap3A_16 = vector.load %arg4[%swap3A, %swap3A_15] : memref<10240x1xf32, #tpu.memory_space<vmem>>, vector<10240x1xf32>
    tpu.vector_store %arg4[%swap3A, %swap3A_15], %add3A_14 {strides = array<i32>} : memref<10240x1xf32, #tpu.memory_space<vmem>>, vector<10240x1xf32>,
    return
  }
}

</mosaic_0001>

<sc_bundles>
// kernel: kernel.10.cloned.1.call-start
scs
__scs_entry_jumppad:
0x0: {  	(pc) =	sbr.rel $0x88, $3  }
0x1: {  	(tag) =	ssettag $0x0;
	lr =	simm.s32 $0x1  }
0x2: {  	[smem:$0x3F99] =	sst lr;
	_ =	strace $0xD0000000  }
0x3: {  	_ = 	snop  }
0x4: {  	_ = 	snop  }
0x5: {  	_ = 	snop  }
0x6: {  	_ = 	snop  }
0x7: {  	_ = 	snop  }
__scs_overlays_trampoline_lowered:
0x8: {  	[smem:$0x3FA8] =	sst s0  }
0x9: {  	[smem:$0x3FA9] =	sst s1  }
0xa: {  	[smem:$0x3FAA] =	sst s2  }
0xb: {  	[smem:$0x3FAB] =	sst s3  }
0xc: {  	[smem:$0x3FAC] =	sst s4  }
0xd: {  	[smem:$0x3FAD] =	sst s5  }
0xe: {  	[smem:$0x3FAE] =	sst s6  }
0xf: {  	[smem:$0x3FAF] =	sst s7  }
0x10: {  	[smem:$0x3FB0] =	sst s8  }
0x11: {  	[smem:$0x3FB1] =	sst s9;
	s0 =	simm.s32 @!p0 $0x0  }
0x12: {  	s1 =	sld [smem:$0x3F97];
	s0 =	simm.s32 @p0 $0x1  }
0x13: {  	[smem:$0x3FB2] =	sst s0;
	s0 =	simm.s32 @!p1 $0x0  }
0x14: {  	s2 =	sld [smem:$0x3F96];
	s0 =	simm.s32 @p1 $0x1  }
0x15: {  	[smem:$0x3FB3] =	sst s0;
	s0 =	simm.s32 @!p2 $0x0  }
0x16: {  	s3 =	sld [smem:$0x3FDB];
	s0 =	simm.s32 @p2 $0x1  }
0x17: {  	s4 =	simm.s32 $0x1BF5;
	[smem:$0x3FB5] =	sst s0  }
0x18: {  	s0 =	sld [smem:$0x3F98];
	_ =	swait.ge [sflag:s4], $0x0  }
0x19: {  	s7 =	sld [smem:$0x3F99]  }
0x1a: {  	s8 =	sadd.s32 $0xFFFFE003, lr  }
0x1b: {  	s9 =	sadd.s32 $0xFFFFFEF7, lr;
	s5 =	simm.s32 $0xFFFFFFFF;
	p2 =	slt.u32 s8, $0xFFFFF086  }
0x1c: {  	p1 =	slt.u32 s9, $0xF7A;
	s5 =	simm.s32 @!p2 $0x0  }
0x1d: {  	s5 =	simm.s32 @p1 $0x1;
	p0 =	seq.s32 s7, s2  }
0x1e: {  	s7 =	smul.u32 @!p0 $0xF7A, s2;
	p2 =	seq.s32 @!p0 s5, $0x0  }
0x1f: {  	s9 =	smul.u32 $0xF7A, s1;
	s8 =	simm.s32 @!p0 $0x1BF5;
	p2 =	por !p2, p0  }
0x20: {  	[sflag:s8] =	ssyncset.s32 @!p0 $0xFFFFF086;
	s6 =	sadd.s32 @!p0 s3, s7;
	s7 =	simm.s32 @!p0 $0x108  }
0x21: {  	s3 =	sadd.s32 s3, s9;
	s6 =	sadd.s32 @!p0 $0x88, s6;
	s7 =	simm.s32 @p2 $0x1082  }
0x22: {  	[simem:s7], [sflag:s8] =	dma.local @!p0 [hbm:s6], $0xF7A  }
0x23: {  	s9 =	sor.u32 $0xD0000000, s2;
	s6 =	simm.s32 $0x108;
	_ =	swait.ge @!p0 [sflag:s8], $0x0  }
0x24: {  	s3 =	sadd.s32 $0x88, s3;
	s6 =	simm.s32 @!p1 $0x1082;
	[sflag:s4] =	ssyncset.s32 $0xFFFFF086  }
0x25: {  	[simem:s6], [sflag:s4] =	dma.local [hbm:s3], $0xF7A  }
0x26: {  	[smem:$0x3F99] =	sst s1;
	(tag) =	ssettag s2;
	_ =	strace s9  }
0x27: {  	s1 =	sld [smem:$0x3FA9]  }
0x28: {  	s2 =	sld [smem:$0x3FAA]  }
0x29: {  	s4 =	sld [smem:$0x3FAC]  }
0x2a: {  	p0 =	seq.s32 s5, $0x0;
	s5 =	sld [smem:$0x3FAD]  }
0x2b: {  	s6 =	sld [smem:$0x3FAE]  }
0x2c: {  	s7 =	sld [smem:$0x3FAF]  }
0x2d: {  	s3 =	simm.s32 $0x108;
	s8 =	sld [smem:$0x3FB0]  }
0x2e: {  	s3 =	simm.s32 @!p0 $0x1082;
	s9 =	sld [smem:$0x3FB1]  }
0x2f: {  	lr =	sadd.s32 s0, s3;
	s0 =	sld [smem:$0x3FA8]  }
0x30: {  	s3 =	sld [smem:$0x3FAB]  }
0x31: {  	[smem:$0x3FB4] =	sst s10  }
0x32: {  	s10 =	sld [smem:$0x3FB2];
	_ =	sdelay $0x3  }
0x33: {  	p0 =	seq.s32 s10, $0x1;
	s10 =	sld [smem:$0x3FB4];
	_ =	sdelay $0x3  }
0x34: {  	[smem:$0x3FB4] =	sst s10  }
0x35: {  	s10 =	sld [smem:$0x3FB3];
	_ =	sdelay $0x3  }
0x36: {  	p1 =	seq.s32 s10, $0x1;
	s10 =	sld [smem:$0x3FB4];
	_ =	sdelay $0x3  }
0x37: {  	[smem:$0x3FB4] =	sst s10  }
0x38: {  	s10 =	sld [smem:$0x3FB5]  }
0x39: {  	_ = 	snop;
	(pc) =	sbr.ind lr, $3  }
0x3a: {  	_ = 	snop  }
0x3b: {  	_ = 	snop  }
0x3c: {  	p2 =	seq.s32 s10, $0x1;
	s10 =	sld [smem:$0x3FB4]  }
0x3d: {  	_ =	shalt  }
0x3e: {  	_ =	shalt  }
0x3f: {  	_ =	shalt  }
0x40: {  	_ =	shalt  }
0x41: {  	_ =	shalt  }
0x42: {  	_ =	shalt  }
0x43: {  	_ =	shalt  }
0x44: {  	_ =	shalt  }
0x45: {  	_ =	shalt  }
0x46: {  	_ =	shalt  }
0x47: {  	_ =	shalt  }
0x48: {  	_ =	shalt  }
0x49: {  	_ =	shalt  }
0x4a: {  	_ =	shalt  }
0x4b: {  	_ =	shalt  }
0x4c: {  	_ =	shalt  }
0x4d: {  	_ =	shalt  }
0x4e: {  	_ =	shalt  }
0x4f: {  	_ =	shalt  }
0x50: {  	_ =	shalt  }
0x51: {  	_ =	shalt  }
0x52: {  	_ =	shalt  }
0x53: {  	_ =	shalt  }
0x54: {  	_ =	shalt  }
0x55: {  	_ =	shalt  }
0x56: {  	_ =	shalt  }
0x57: {  	_ =	shalt  }
0x58: {  	_ =	shalt  }
0x59: {  	_ =	shalt  }
0x5a: {  	_ =	shalt  }
0x5b: {  	_ =	shalt  }
0x5c: {  	_ =	shalt  }
0x5d: {  	_ =	shalt  }
0x5e: {  	_ =	shalt  }
0x5f: {  	_ =	shalt  }
0x60: {  	_ =	shalt  }
0x61: {  	_ =	shalt  }
0x62: {  	_ =	shalt  }
0x63: {  	_ =	shalt  }
0x64: {  	_ =	shalt  }
0x65: {  	_ =	shalt  }
0x66: {  	_ =	shalt  }
0x67: {  	_ =	shalt  }
0x68: {  	_ =	shalt  }
0x69: {  	_ =	shalt  }
0x6a: {  	_ =	shalt  }
0x6b: {  	_ =	shalt  }
0x6c: {  	_ =	shalt  }
0x6d: {  	_ =	shalt  }
0x6e: {  	_ =	shalt  }
0x6f: {  	_ =	shalt  }
0x70: {  	_ =	shalt  }
0x71: {  	_ =	shalt  }
0x72: {  	_ =	shalt  }
0x73: {  	_ =	shalt  }
0x74: {  	_ =	shalt  }
0x75: {  	_ =	shalt  }
0x76: {  	_ =	shalt  }
0x77: {  	_ =	shalt  }
0x78: {  	_ =	shalt  }
0x79: {  	_ =	shalt  }
0x7a: {  	_ =	shalt  }
0x7b: {  	_ =	shalt  }
0x7c: {  	_ =	shalt  }
0x7d: {  	_ =	shalt  }
0x7e: {  	_ =	shalt  }
0x7f: {  	_ =	shalt  }
0x80: {  	_ =	shalt  }
0x81: {  	_ =	shalt  }
0x82: {  	_ =	shalt  }
0x83: {  	_ =	shalt  }
0x84: {  	_ =	shalt  }
0x85: {  	_ =	shalt  }
0x86: {  	_ =	shalt  }
0x87: {  	_ =	shalt  }
.Lfunc_end0:
.L_simem_size_0:
called_computation.1_lowered:
.L_overlay_start_0:
0x88: {  	s2 =	sld [smem:$0x3FD9]  }
0x89: {  	s3 =	sld [smem:$0x3FFE];
	_ =	sdelay $0x1  }
0x8a: {  	s1 =	srdreg.scid  }
0x8b: {  	s0 =	sand.u32 $0x1, s1  }
0x8c: {  	s16 =	sshll.u32 s0, $0xA;
	s2 =	sadd.s32 s3, s2  }
0x8d: {  	s2 =	sadd.s32 s2, s16  }
0x8e: {  	[smem:$0x3FC0] =	sst s2  }
0x8f: {  	_ = 	snop  }
0x90: {  	(tm) =	ssettm $0x1  }
0x91: {  	s17 =	sld [smem:$0x3FFB];
	_ =	sdelay $0x3  }
0x92: {  	_ =	strace s17  }
0x93: {  	s2 =	sld [smem:$0x3FFC];
	_ =	sdelay $0x3  }
0x94: {  	_ =	strace s2  }
0x95: {  	s2 =	sld [smem:$0x3FFD];
	_ =	sdelay $0x3  }
0x96: {  	_ =	strace s2  }
0x97: {  	_ =	strace $0x8FFFFFFF  }
0x98: {  	s18 =	sld [smem:$0x3FDB];
	_ =	sdelay $0x1  }
0x99: {  	s19 =	simm.s32 $_scs_section_size  }
0x9a: {  	s4 =	simm.s32 $_size__tile_overlayer_lowered;
	s5 =	simm.s32 $_tile_overlayer_lowered  }
0x9b: {  	s22 =	simm.s32 $0x1BFF;
	s21 =	sshll.u32 s5, $0x1;
	s2 =	sadd.s32 s19, s18  }
0x9c: {  	s6 =	simm.s32 $0x0;
	s20 =	sshll.u32 s4, $0x1;
	s4 =	sadd.s32 s21, s2  }
0x9d: {  	[timem:s6], [sflag:s22] =	dma.local [hbm:s4], s20  }
0x9e: {  	_ =	swait.ge [sflag:s22], s20  }
0x9f: {  	s3 =	ssub.s32 $0x0, s20;
	[sflag:s22] =	ssyncset.done $0x0  }
0xa0: {  	[sflag:s22] =	ssyncadd.s32 s3;
	_ =	sdelay $0x1  }
0xa1: {  	s23 =	simm.s32 $0x1B8B  }
0xa2: {  	_ =	swait.ge [sflag:s23], $0x1  }
0xa3: {  	[sflag:s23] =	ssyncset.done $0x0  }
0xa4: {  	s25 =	simm.s32 $0x1B8E;
	s24 =	sld [smem:$0x3FFE];
	[sflag:s23] =	ssyncadd.s32 $0xFFFFFFFF  }
0xa5: {  	s26 =	simm.s32 $execute0_lowered;
	[smem:$0x3FD2] =	sst s25  }
0xa6: {  	s4 =	sshll.u32 s26, $0x1;
	_ =	strace $0x80000049;
	[dreg:$0x1] =	wrdreg $0xFFFFFFFF  }
0xa7: {  	s28 =	simm.s32 $_size_execute0_lowered;
	s2 =	sadd.s32 s2, s4;
	[dreg:$0x0] =	wrdreg $0x0  }
0xa8: {  	s4 =	sshll.u32 s28, $0x1;
	[dreg:$0x2] =	wrdreg s2  }
0xa9: {  	[dreg:$0x3] =	wrdreg s4  }
0xaa: {  	[dreg:$0x4] =	wrdreg $0xC0  }
0xab: {  	_ =	task [dreg:s6], $0x5FFFF  }
0xac: {  	[dreg:$0x1] =	wrdreg $0xFFFFFFFF  }
0xad: {  	[dreg:$0x0] =	wrdreg $0x60  }
0xae: {  	[dreg:$0x2] =	wrdreg s24  }
0xaf: {  	[dreg:$0x3] =	wrdreg $0x9  }
0xb0: {  	_ =	task.clear_ibuf [dreg:s6], $0x4FFFF;
	_ =	strace $0x90000049  }
0xb1: {  	s29 =	simm.s32 $0x9;
	_ =	strace $0x8000004B  }
0xb2: {  	_ =	swait.ge [sflag:s29], $0x1  }
0xb3: {  	[sflag:s29] =	ssyncadd.s32 $0xFFFFFFFF  }
0xb4: {  	_ =	strace $0x9000004B  }
0xb5: {  	_ =	sfence  }
0xb6: {  	s30 =	sld [smem:$0x0];
	_ =	sdelay $0x2  }
0xb7: {  	s31 =	sshll.u32 s1, $0xD;
	s1 =	sshrl.u32 s1, $0x2  }
0xb8: {  	s3 =	sand.u32 $0x4000, s31;
	s1 =	sadd.s32 s1, s30  }
0xb9: {  	s0 =	sor.u32 s3, s0;
	s1 =	sshll.u32 s1, $0x11  }
0xba: {  	s0 =	sor.u32 s1, s0  }
0xbb: {  	s0 =	sadd.s32 $0x8F2B, s0  }
0xbc: {  	[sflag:s0] =	ssyncadd.remote.s32 $0x1  }
0xbd: {  	_ =	sfence.sel $0xFFFF  }
0xbe: {  	[dreg:$0x0] =	wrdreg $0xFFFFFFFF;
	(pc) =	sbr.abs _section_cstart, $3  }
0xbf: {  	[dreg:$0x1] =	wrdreg $0xFFFFFFFF  }
0xc0: {  	_ =	task.clear_ibuf [dreg:s6], $0x2FFFF;
	_ =	strace $0x9FFFFFFF  }
0xc1: {  	(tm) =	ssettm $0x7FFFFFFF  }
tec
execute0_lowered:
.L_overlay_start_1:
0x0: {  	(tag) =	ssettag $0x1  }
0x1: {  	s0 =	srdreg.scid;
	s4 =	rddreg [dreg:$0x0];
	s2 =	simm.s32 $0x0  }
0x2: {  	s10 =	simm.s32 $0x7710;
	s11 =	simm.s32 $0x2800;
	s3 =	sand.u32 $0x1, s0  }
0x3: {  	s12 =	simm.s32 $0x0;
	s0 =	stileid.u32;
	s1 =	sshll.u32 s3, $0x4  }
0x4: {  	[smem:$0x7FF] =	sst s2;
	s7 =	ssub.s32 $0x2, s3;
	s5 =	sor.u32 s0, s1  }
0x5: {  	s3 =	sadd.s32 $0x15C00, s4;
	s1 =	rddreg [dreg:$0x1];
	s6 =	smul.u32 $0x4E2, s5  }
0x6: {  	_ =	strace $0x8000004A;
	s8 =	sshrl.u32 s7, $0x1;
	s5 =	smul.u32 $0x500, s5  }
0x7: {  	s7 =	ssub.s32 s7, s8;
	s8 =	simm.s32 $0x1;
	s6 =	sadd.s32 s6, s4  }
0x8: {  	s7 =	smax.u32 s7, $0x1;
	s9 =	sadd.s32 s5, s4;
	s4 =	sadd.s32 $0xBE00, s6  }
0x9: {  	v0 =	vimm.f32 $0.0e+00;
	s5 =	sadd.s32 $0x2000, s6;
	s6 =	sadd.s32 $0x16200, s9;
	s9 =	simm.s32 $0x5000  }
.LBB2_1:
0xa: {  	s13 =	simm.s32 $0x40;
	s14 =	simm.s32 $0x0  }
.LBB2_2:
0xb: {  	p0 =	sne.s32 s13, $0x9FC0;
	[tilespmem:s14+$0x2800] =	vst v0;
	s14 =	smov.u32 s13;
	s13 =	sadd.s32 $0x40, s13  }
.Ltmp0:
0xc: {  	(pc) =	sbr.rel @p0 .LBB2_2-.Ltmp0, $2  }
0xd: {  	_ =	sdelay $0x2  }
0xe: {  	s14 =	sshra.s32 s14, $0x2  }
0xf: {  	[tilespmem:s14+$0x2800] =	vst v0;
	s13 =	simm.s32 $0x0  }
0x10: {  	[tilespmem:s13], [sflag:$0x1] =	stream.linear.gather [hbm4b:s3+s13], $0x2800, $0x38;
	[tilespmem:$0x9E20] =	vst v63  }
0x11: {  	_ =	swait.ge [sflag:s8], $0x2800  }
0x12: {  	[sflag:s8] =	ssyncset.done $0x0  }
0x13: {  	[sflag:s8] =	ssyncadd.s32 $0xFFFFD800  }
0x14: {  	[tilespmem:s9], [sflag:$0x1] =	stream.linear.gather [hbm4b:s4+s13], $0x2710, $0x38;
	[tilespmem:$0x9E20] =	vst v63  }
0x15: {  	_ =	swait.ge [sflag:s8], $0x2710  }
0x16: {  	[sflag:s8] =	ssyncset.done $0x0  }
0x17: {  	[sflag:s8] =	ssyncadd.s32 $0xFFFFD8F0  }
0x18: {  	[tilespmem:s10], [sflag:$0x1] =	stream.linear.gather [hbm4b:s5+s13], $0x2710, $0x38;
	[tilespmem:$0x9E20] =	vst v63  }
0x19: {  	_ =	swait.ge [sflag:s8], $0x2710  }
0x1a: {  	[sflag:s8] =	ssyncset.done $0x0  }
0x1b: {  	s14 =	simm.s32 $0x0;
	s13 =	simm.s32 $0x40;
	[sflag:s8] =	ssyncadd.s32 $0xFFFFD8F0  }
.LBB2_4:
0x1c: {  	p0 =	sne.s32 s13, $0x9C00;
	v1 =	vld [tilespmem:s14+$0x5000];
	_ =	sdelay $0x5  }
0x1d: {  	v2 =	vld [tilespmem:s14+$0x7710];
	_ =	sdelay $0x1  }
0x1e: {  	v1 =	vld.idx.msk [tilespmem:v1+s2+$0x0], $0xffff;
	_ =	sdelay $0x1  }
.Ltmp1:
0x1f: {  	(pc) =	sbr.rel @p0 .LBB2_4-.Ltmp1, $2  }
0x20: {  	_ =	sdelay $0x2  }
0x21: {  	s14 =	sshra.s32 s13, $0x2;
	s13 =	sadd.s32 $0x40, s13;
	[tilespmem:v2+s11+$0x0] =	vst.idx.add.f32.msk $0xffff, v1  }
0x22: {  	v1 =	vld [tilespmem:s14+$0x5000];
	_ =	sdelay $0x4  }
0x23: {  	v2 =	vld [tilespmem:s14+$0x7710];
	_ =	sdelay $0x2  }
0x24: {  	v1 =	vld.idx.msk [tilespmem:v1+s2+$0x0], $0xffff;
	_ =	sdelay $0x2  }
0x25: {  	s12 =	sadd.s32 $0x1, s12  }
0x26: {  	p0 =	sne.s32 s12, s7  }
.Ltmp2:
0x27: {  	[tilespmem:v2+s11+$0x0] =	vst.idx.add.f32.msk $0xffff, v1;
	(pc) =	sbr.rel @p0 .LBB2_1-.Ltmp2, $4  }
0x28: {  	[hbm4b:s6+s2] =	stream.linear.scatter [tilespmem:s11], [sflag:$0x1], $0x2800, $0x38;
	[tilespmem:$0x9E20] =	vst v63  }
0x29: {  	_ =	swait.ge [sflag:s8], $0x2800  }
0x2a: {  	[sflag:s8] =	ssyncset.done $0x0  }
0x2b: {  	[sflag:s8] =	ssyncadd.s32 $0xFFFFD800  }
0x2c: {  	_ =	sfence.sel $0x180000  }
0x2d: {  	[bflag:$0x0] =	sbarrier.arrive $0xFFFF  }
0x2e: {  	p0 =	sne.s32 s0, $0x0;
	_ =	strace $0x9000004A  }
0x2f: {  	s0 =	sadd.s32 @!p0 $0x100000, s1;
	[bflag:$0x2] =	sbarrier.arrive $0xFFFF  }
0x30: {  	[sflag:s0] =	ssyncadd.tile.s32 @!p0 $0x1;
	_ =	shalt  }
.Lfunc_end2:
_tile_overlayer_lowered:
.L_overlay_start_2:
0x31: {  	(tag) =	ssettag $0x2  }
0x32: {  	s0 =	rddreg [dreg:$0x0];
	s2 =	stileid.u32  }
0x33: {  	s1 =	rddreg [dreg:$0x1];
	p0 =	sne.s32 s2, $0x0  }
0x34: {  	s3 =	rddreg [dreg:$0x2];
	[bflag:$0x3] =	sbarrier.arrive $0xFFFF;
	s2 =	simm.s32 @!p0 $0x1C01  }
0x35: {  	[timem:s3], [sflag:s2] =	dma.local @!p0 [hbm:s0], s1  }
0x36: {  	s0 =	simm.s32 @!p0 $0x1  }
0x37: {  	_ =	swait.ge @!p0 [sflag:s0], s1  }
0x38: {  	s1 =	ssub.s32 @!p0 $0x0, s1;
	[sflag:s0] =	ssyncset.done @!p0 $0x0  }
0x39: {  	[sflag:s0] =	ssyncadd.s32 @!p0 s1  }
0x3a: {  	[bflag:$0x3] =	sbarrier.arrive $0xFFFF  }
0x3b: {  	_ =	shalt  }

// kernel: kernel.7.cloned.1.call-start
scs
__scs_entry_jumppad:
0x0: {  	(pc) =	sbr.rel $0x88, $3  }
0x1: {  	(tag) =	ssettag $0x0;
	lr =	simm.s32 $0x1  }
0x2: {  	[smem:$0x3F99] =	sst lr;
	_ =	strace $0xD0000000  }
0x3: {  	_ = 	snop  }
0x4: {  	_ = 	snop  }
0x5: {  	_ = 	snop  }
0x6: {  	_ = 	snop  }
0x7: {  	_ = 	snop  }
__scs_overlays_trampoline_lowered:
0x8: {  	[smem:$0x3FA8] =	sst s0  }
0x9: {  	[smem:$0x3FA9] =	sst s1  }
0xa: {  	[smem:$0x3FAA] =	sst s2  }
0xb: {  	[smem:$0x3FAB] =	sst s3  }
0xc: {  	[smem:$0x3FAC] =	sst s4  }
0xd: {  	[smem:$0x3FAD] =	sst s5  }
0xe: {  	[smem:$0x3FAE] =	sst s6  }
0xf: {  	[smem:$0x3FAF] =	sst s7  }
0x10: {  	[smem:$0x3FB0] =	sst s8  }
0x11: {  	[smem:$0x3FB1] =	sst s9;
	s0 =	simm.s32 @!p0 $0x0  }
0x12: {  	s1 =	sld [smem:$0x3F97];
	s0 =	simm.s32 @p0 $0x1  }
0x13: {  	[smem:$0x3FB2] =	sst s0;
	s0 =	simm.s32 @!p1 $0x0  }
0x14: {  	s2 =	sld [smem:$0x3F96];
	s0 =	simm.s32 @p1 $0x1  }
0x15: {  	[smem:$0x3FB3] =	sst s0;
	s0 =	simm.s32 @!p2 $0x0  }
0x16: {  	s3 =	sld [smem:$0x3FDB];
	s0 =	simm.s32 @p2 $0x1  }
0x17: {  	s4 =	simm.s32 $0x1BF5;
	[smem:$0x3FB5] =	sst s0  }
0x18: {  	s0 =	sld [smem:$0x3F98];
	_ =	swait.ge [sflag:s4], $0x0  }
0x19: {  	s7 =	sld [smem:$0x3F99]  }
0x1a: {  	s8 =	sadd.s32 $0xFFFFE003, lr  }
0x1b: {  	s9 =	sadd.s32 $0xFFFFFEF7, lr;
	s5 =	simm.s32 $0xFFFFFFFF;
	p2 =	slt.u32 s8, $0xFFFFF086  }
0x1c: {  	p1 =	slt.u32 s9, $0xF7A;
	s5 =	simm.s32 @!p2 $0x0  }
0x1d: {  	s5 =	simm.s32 @p1 $0x1;
	p0 =	seq.s32 s7, s2  }
0x1e: {  	s7 =	smul.u32 @!p0 $0xF7A, s2;
	p2 =	seq.s32 @!p0 s5, $0x0  }
0x1f: {  	s9 =	smul.u32 $0xF7A, s1;
	s8 =	simm.s32 @!p0 $0x1BF5;
	p2 =	por !p2, p0  }
0x20: {  	[sflag:s8] =	ssyncset.s32 @!p0 $0xFFFFF086;
	s6 =	sadd.s32 @!p0 s3, s7;
	s7 =	simm.s32 @!p0 $0x108  }
0x21: {  	s3 =	sadd.s32 s3, s9;
	s6 =	sadd.s32 @!p0 $0x88, s6;
	s7 =	simm.s32 @p2 $0x1082  }
0x22: {  	[simem:s7], [sflag:s8] =	dma.local @!p0 [hbm:s6], $0xF7A  }
0x23: {  	s9 =	sor.u32 $0xD0000000, s2;
	s6 =	simm.s32 $0x108;
	_ =	swait.ge @!p0 [sflag:s8], $0x0  }
0x24: {  	s3 =	sadd.s32 $0x88, s3;
	s6 =	simm.s32 @!p1 $0x1082;
	[sflag:s4] =	ssyncset.s32 $0xFFFFF086  }
0x25: {  	[simem:s6], [sflag:s4] =	dma.local [hbm:s3], $0xF7A  }
0x26: {  	[smem:$0x3F99] =	sst s1;
	(tag) =	ssettag s2;
	_ =	strace s9  }
0x27: {  	s1 =	sld [smem:$0x3FA9]  }
0x28: {  	s2 =	sld [smem:$0x3FAA]  }
0x29: {  	s4 =	sld [smem:$0x3FAC]  }
0x2a: {  	p0 =	seq.s32 s5, $0x0;
	s5 =	sld [smem:$0x3FAD]  }
0x2b: {  	s6 =	sld [smem:$0x3FAE]  }
0x2c: {  	s7 =	sld [smem:$0x3FAF]  }
0x2d: {  	s3 =	simm.s32 $0x108;
	s8 =	sld [smem:$0x3FB0]  }
0x2e: {  	s3 =	simm.s32 @!p0 $0x1082;
	s9 =	sld [smem:$0x3FB1]  }
0x2f: {  	lr =	sadd.s32 s0, s3;
	s0 =	sld [smem:$0x3FA8]  }
0x30: {  	s3 =	sld [smem:$0x3FAB]  }
0x31: {  	[smem:$0x3FB4] =	sst s10  }
0x32: {  	s10 =	sld [smem:$0x3FB2];
	_ =	sdelay $0x3  }
0x33: {  	p0 =	seq.s32 s10, $0x1;
	s10 =	sld [smem:$0x3FB4];
	_ =	sdelay $0x3  }
0x34: {  	[smem:$0x3FB4] =	sst s10  }
0x35: {  	s10 =	sld [smem:$0x3FB3];
	_ =	sdelay $0x3  }
0x36: {  	p1 =	seq.s32 s10, $0x1;
	s10 =	sld [smem:$0x3FB4];
	_ =	sdelay $0x3  }
0x37: {  	[smem:$0x3FB4] =	sst s10  }
0x38: {  	s10 =	sld [smem:$0x3FB5]  }
0x39: {  	_ = 	snop;
	(pc) =	sbr.ind lr, $3  }
0x3a: {  	_ = 	snop  }
0x3b: {  	_ = 	snop  }
0x3c: {  	p2 =	seq.s32 s10, $0x1;
	s10 =	sld [smem:$0x3FB4]  }
0x3d: {  	_ =	shalt  }
0x3e: {  	_ =	shalt  }
0x3f: {  	_ =	shalt  }
0x40: {  	_ =	shalt  }
0x41: {  	_ =	shalt  }
0x42: {  	_ =	shalt  }
0x43: {  	_ =	shalt  }
0x44: {  	_ =	shalt  }
0x45: {  	_ =	shalt  }
0x46: {  	_ =	shalt  }
0x47: {  	_ =	shalt  }
0x48: {  	_ =	shalt  }
0x49: {  	_ =	shalt  }
0x4a: {  	_ =	shalt  }
0x4b: {  	_ =	shalt  }
0x4c: {  	_ =	shalt  }
0x4d: {  	_ =	shalt  }
0x4e: {  	_ =	shalt  }
0x4f: {  	_ =	shalt  }
0x50: {  	_ =	shalt  }
0x51: {  	_ =	shalt  }
0x52: {  	_ =	shalt  }
0x53: {  	_ =	shalt  }
0x54: {  	_ =	shalt  }
0x55: {  	_ =	shalt  }
0x56: {  	_ =	shalt  }
0x57: {  	_ =	shalt  }
0x58: {  	_ =	shalt  }
0x59: {  	_ =	shalt  }
0x5a: {  	_ =	shalt  }
0x5b: {  	_ =	shalt  }
0x5c: {  	_ =	shalt  }
0x5d: {  	_ =	shalt  }
0x5e: {  	_ =	shalt  }
0x5f: {  	_ =	shalt  }
0x60: {  	_ =	shalt  }
0x61: {  	_ =	shalt  }
0x62: {  	_ =	shalt  }
0x63: {  	_ =	shalt  }
0x64: {  	_ =	shalt  }
0x65: {  	_ =	shalt  }
0x66: {  	_ =	shalt  }
0x67: {  	_ =	shalt  }
0x68: {  	_ =	shalt  }
0x69: {  	_ =	shalt  }
0x6a: {  	_ =	shalt  }
0x6b: {  	_ =	shalt  }
0x6c: {  	_ =	shalt  }
0x6d: {  	_ =	shalt  }
0x6e: {  	_ =	shalt  }
0x6f: {  	_ =	shalt  }
0x70: {  	_ =	shalt  }
0x71: {  	_ =	shalt  }
0x72: {  	_ =	shalt  }
0x73: {  	_ =	shalt  }
0x74: {  	_ =	shalt  }
0x75: {  	_ =	shalt  }
0x76: {  	_ =	shalt  }
0x77: {  	_ =	shalt  }
0x78: {  	_ =	shalt  }
0x79: {  	_ =	shalt  }
0x7a: {  	_ =	shalt  }
0x7b: {  	_ =	shalt  }
0x7c: {  	_ =	shalt  }
0x7d: {  	_ =	shalt  }
0x7e: {  	_ =	shalt  }
0x7f: {  	_ =	shalt  }
0x80: {  	_ =	shalt  }
0x81: {  	_ =	shalt  }
0x82: {  	_ =	shalt  }
0x83: {  	_ =	shalt  }
0x84: {  	_ =	shalt  }
0x85: {  	_ =	shalt  }
0x86: {  	_ =	shalt  }
0x87: {  	_ =	shalt  }
.Lfunc_end0:
.L_simem_size_0:
called_computation_lowered:
.L_overlay_start_0:
0x88: {  	s2 =	sld [smem:$0x3FD9]  }
0x89: {  	s3 =	sld [smem:$0x3FFE];
	_ =	sdelay $0x1  }
0x8a: {  	s1 =	srdreg.scid  }
0x8b: {  	s0 =	sand.u32 $0x1, s1  }
0x8c: {  	s16 =	sshll.u32 s0, $0xA;
	s2 =	sadd.s32 s3, s2  }
0x8d: {  	s2 =	sadd.s32 s2, s16  }
0x8e: {  	[smem:$0x3FC0] =	sst s2  }
0x8f: {  	_ = 	snop  }
0x90: {  	(tm) =	ssettm $0x1  }
0x91: {  	s17 =	sld [smem:$0x3FFB];
	_ =	sdelay $0x3  }
0x92: {  	_ =	strace s17  }
0x93: {  	s2 =	sld [smem:$0x3FFC];
	_ =	sdelay $0x3  }
0x94: {  	_ =	strace s2  }
0x95: {  	s2 =	sld [smem:$0x3FFD];
	_ =	sdelay $0x3  }
0x96: {  	_ =	strace s2  }
0x97: {  	_ =	strace $0x8FFFFFFF  }
0x98: {  	s18 =	sld [smem:$0x3FDB];
	_ =	sdelay $0x1  }
0x99: {  	s19 =	simm.s32 $_scs_section_size  }
0x9a: {  	s4 =	simm.s32 $_size__tile_overlayer_lowered;
	s5 =	simm.s32 $_tile_overlayer_lowered  }
0x9b: {  	s22 =	simm.s32 $0x1BFF;
	s21 =	sshll.u32 s5, $0x1;
	s2 =	sadd.s32 s19, s18  }
0x9c: {  	s6 =	simm.s32 $0x0;
	s20 =	sshll.u32 s4, $0x1;
	s4 =	sadd.s32 s21, s2  }
0x9d: {  	[timem:s6], [sflag:s22] =	dma.local [hbm:s4], s20  }
0x9e: {  	_ =	swait.ge [sflag:s22], s20  }
0x9f: {  	s3 =	ssub.s32 $0x0, s20;
	[sflag:s22] =	ssyncset.done $0x0  }
0xa0: {  	[sflag:s22] =	ssyncadd.s32 s3;
	_ =	sdelay $0x1  }
0xa1: {  	s23 =	simm.s32 $0x1B8B  }
0xa2: {  	_ =	swait.ge [sflag:s23], $0x1  }
0xa3: {  	[sflag:s23] =	ssyncset.done $0x0  }
0xa4: {  	s25 =	simm.s32 $0x1B8E;
	s24 =	sld [smem:$0x3FFE];
	[sflag:s23] =	ssyncadd.s32 $0xFFFFFFFF  }
0xa5: {  	s26 =	simm.s32 $execute0_lowered;
	[smem:$0x3FD2] =	sst s25  }
0xa6: {  	s4 =	sshll.u32 s26, $0x1;
	_ =	strace $0x80000046;
	[dreg:$0x1] =	wrdreg $0xFFFFFFFF  }
0xa7: {  	s28 =	simm.s32 $_size_execute0_lowered;
	s2 =	sadd.s32 s2, s4;
	[dreg:$0x0] =	wrdreg $0x0  }
0xa8: {  	s4 =	sshll.u32 s28, $0x1;
	[dreg:$0x2] =	wrdreg s2  }
0xa9: {  	[dreg:$0x3] =	wrdreg s4  }
0xaa: {  	[dreg:$0x4] =	wrdreg $0xC0  }
0xab: {  	_ =	task [dreg:s6], $0x5FFFF  }
0xac: {  	[dreg:$0x1] =	wrdreg $0xFFFFFFFF  }
0xad: {  	[dreg:$0x0] =	wrdreg $0x60  }
0xae: {  	[dreg:$0x2] =	wrdreg s24  }
0xaf: {  	[dreg:$0x3] =	wrdreg $0x120000  }
0xb0: {  	[dreg:$0x4] =	wrdreg $0x170000  }
0xb1: {  	[dreg:$0x5] =	wrdreg $0x172800  }
0xb2: {  	[dreg:$0x6] =	wrdreg $0x9  }
0xb3: {  	_ =	task.clear_ibuf [dreg:s6], $0x7FFFF;
	_ =	strace $0x90000046  }
0xb4: {  	s29 =	simm.s32 $0x9;
	_ =	strace $0x80000048  }
0xb5: {  	_ =	swait.ge [sflag:s29], $0x1  }
0xb6: {  	[sflag:s29] =	ssyncadd.s32 $0xFFFFFFFF  }
0xb7: {  	_ =	strace $0x90000048  }
0xb8: {  	_ =	sfence  }
0xb9: {  	s30 =	sld [smem:$0x0];
	_ =	sdelay $0x2  }
0xba: {  	s31 =	sshll.u32 s1, $0xD;
	s1 =	sshrl.u32 s1, $0x2  }
0xbb: {  	s3 =	sand.u32 $0x4000, s31;
	s1 =	sadd.s32 s1, s30  }
0xbc: {  	s0 =	sor.u32 s3, s0;
	s1 =	sshll.u32 s1, $0x11  }
0xbd: {  	s0 =	sor.u32 s1, s0  }
0xbe: {  	s0 =	sadd.s32 $0x8F2B, s0  }
0xbf: {  	[sflag:s0] =	ssyncadd.remote.s32 $0x1  }
0xc0: {  	_ =	sfence.sel $0xFFFF  }
0xc1: {  	[dreg:$0x0] =	wrdreg $0xFFFFFFFF;
	(pc) =	sbr.abs _section_cstart, $3  }
0xc2: {  	[dreg:$0x1] =	wrdreg $0xFFFFFFFF  }
0xc3: {  	_ =	task.clear_ibuf [dreg:s6], $0x2FFFF;
	_ =	strace $0x9FFFFFFF  }
0xc4: {  	(tm) =	ssettm $0x7FFFFFFF  }
0xc5: {  	_ =	shalt  }
tec
execute0_lowered:
.L_overlay_start_1:
0x0: {  	(tag) =	ssettag $0x1  }
0x1: {  	s0 =	rddreg [dreg:$0x0]  }
0x2: {  	s1 =	rddreg [dreg:$0x1]  }
0x3: {  	s2 =	srdreg.scid;
	s3 =	rddreg [dreg:$0x2]  }
0x4: {  	s14 =	stileid.u32;
	s4 =	rddreg [dreg:$0x3];
	s5 =	simm.s32 $0x0  }
0x5: {  	s19 =	simm.s32 $0x7D;
	s20 =	simm.s32 $0x5000;
	s21 =	simm.s32 $0x5FA0  }
0x6: {  	s22 =	simm.s32 $0x6F40;
	s23 =	simm.s32 $0x7EE0;
	s24 =	simm.s32 $0x8E80  }
0x7: {  	s28 =	simm.s32 $0xBD60;
	s29 =	simm.s32 $0x1;
	s30 =	simm.s32 $0x11F80  }
0x8: {  	s31 =	simm.s32 $0x2;
	s2 =	sand.u32 $0x1, s2;
	s8 =	smul.u32 $0x5000, s14  }
0x9: {  	[smem:$0x7FF] =	sst s5;
	s13 =	sadd.s32 $0x66800, s0;
	s11 =	sadd.s32 $0x5C800, s0  }
0xa: {  	s15 =	sadd.s32 $0x5BC00, s0;
	s6 =	sshll.u32 s2, $0x4;
	_ =	strace $0x80000047  }
0xb: {  	s25 =	ssub.s32 $0x2, s2;
	p0 =	seq.s32 s2, $0x1;
	s6 =	sor.u32 s14, s6  }
0xc: {  	s12 =	sshrl.u32 s8, $0x3;
	s7 =	sshrl.u32 s25, $0x1;
	s14 =	smul.u32 $0x280, s14  }
0xd: {  	s17 =	sadd.s32 s8, s4;
	s13 =	smov.u32 @p0 s11;
	s6 =	smul.u32 $0x500, s6  }
0xe: {  	s9 =	sadd.s32 s12, s0;
	s16 =	ssub.s32 s25, s7;
	s12 =	sadd.s32 s13, s12  }
0xf: {  	s17 =	sshrl.u32 s17, $0x3;
	s25 =	simm.s32 $0x9E20;
	s7 =	sadd.s32 s14, s3  }
0x10: {  	s26 =	sshrl.u32 s14, $0x3;
	s11 =	smax.u32 s16, $0x1;
	s10 =	sadd.s32 s6, s0  }
0x11: {  	s0 =	sadd.s32 $0x5C200, s0;
	s6 =	sadd.s32 s8, s1;
	s8 =	sadd.s32 $0x51C00, s9  }
0x12: {  	s9 =	sadd.s32 $0x1FC00, s10;
	s10 =	sadd.s32 $0x15C00, s10;
	s15 =	smov.u32 @p0 s0  }
0x13: {  	v0 =	vimm.f32 $0.0e+00;
	v1 =	vimm.f32 $1.000000000e+00;
	s13 =	sadd.s32 s15, s26;
	s15 =	simm.s32 $0x3;
	s26 =	simm.s32 $0xADC0  }
.LBB2_1:
0x14: {  	s2 =	simm.s32 $0x80;
	s0 =	simm.s32 $0x0  }
.LBB2_2:
0x15: {  	p0 =	sne.s32 s2, $0x13F80;
	[tilespmem:s0+$0xCD00] =	vst v0;
	s14 =	smov.u32 s2;
	s2 =	sadd.s32 $0x80, s2  }
.Ltmp0:
0x16: {  	[tilespmem:s0+$0xCD10] =	vst v0;
	(pc) =	sbr.rel @p0 .LBB2_2-.Ltmp0, $2  }
0x17: {  	_ =	sdelay $0x2  }
0x18: {  	s0 =	sshra.s32 s14, $0x2  }
0x19: {  	[tilespmem:s0+$0xCD00] =	vst v0  }
0x1a: {  	[tilespmem:s0+$0xCD10] =	vst v0  }
0x1b: {  	[tilespmem:$0x11D00] =	vst v0  }
0x1c: {  	[tilespmem:$0x11D10] =	vst v0  }
0x1d: {  	[tilespmem:$0x11D20] =	vst v0  }
0x1e: {  	[tilespmem:$0x11D30] =	vst v0  }
0x1f: {  	[tilespmem:$0x11D40] =	vst v0  }
0x20: {  	[tilespmem:$0x11D50] =	vst v0  }
0x21: {  	[tilespmem:$0x11D60] =	vst v0  }
0x22: {  	[tilespmem:$0x11D70] =	vst v0  }
0x23: {  	[tilespmem:$0x11D80] =	vst v0  }
0x24: {  	[tilespmem:$0x11D90] =	vst v0  }
0x25: {  	[tilespmem:$0x11DA0] =	vst v0  }
0x26: {  	[tilespmem:$0x11DB0] =	vst v0  }
0x27: {  	[tilespmem:$0x11DC0] =	vst v0  }
0x28: {  	[tilespmem:$0x11DD0] =	vst v0  }
0x29: {  	[tilespmem:$0x11DE0] =	vst v0  }
0x2a: {  	[tilespmem:$0x11DF0] =	vst v0  }
0x2b: {  	[tilespmem:$0x11E00] =	vst v0  }
0x2c: {  	[tilespmem:$0x11E10] =	vst v0  }
0x2d: {  	[tilespmem:$0x11E20] =	vst v0  }
0x2e: {  	[tilespmem:$0x11E30] =	vst v0  }
0x2f: {  	[tilespmem:$0x11E40] =	vst v0  }
0x30: {  	[tilespmem:$0x11E50] =	vst v0  }
0x31: {  	[tilespmem:$0x11E60] =	vst v0  }
0x32: {  	[tilespmem:$0x11E70] =	vst v0  }
0x33: {  	[tilespmem:$0x11E80] =	vst v0  }
0x34: {  	[tilespmem:$0x11E90] =	vst v0  }
0x35: {  	[tilespmem:$0x11EA0] =	vst v0  }
0x36: {  	[tilespmem:$0x11EB0] =	vst v0  }
0x37: {  	[tilespmem:$0x11EC0] =	vst v0  }
0x38: {  	[tilespmem:$0x11ED0] =	vst v0  }
0x39: {  	[tilespmem:$0x11EE0] =	vst v0  }
0x3a: {  	[tilespmem:$0x11EF0] =	vst v0  }
0x3b: {  	[tilespmem:$0x11F00] =	vst v0  }
0x3c: {  	[tilespmem:$0x11F10] =	vst v0  }
0x3d: {  	[tilespmem:$0x11F20] =	vst v0  }
0x3e: {  	[tilespmem:$0x11F30] =	vst v0  }
0x3f: {  	[tilespmem:$0x11F40] =	vst v0  }
0x40: {  	[tilespmem:$0x11F50] =	vst v0  }
0x41: {  	[tilespmem:$0x11F60] =	vst v0  }
0x42: {  	[tilespmem:$0x11F70] =	vst v0  }
0x43: {  	[tilespmem:$0x11F80] =	vst v1  }
0x44: {  	[tilespmem:$0x11F90] =	vst v1  }
0x45: {  	[tilespmem:$0x11FA0] =	vst v1  }
0x46: {  	[tilespmem:$0x11FB0] =	vst v1  }
0x47: {  	[tilespmem:$0x11FC0] =	vst v1  }
0x48: {  	[tilespmem:$0x11FD0] =	vst v1  }
0x49: {  	[tilespmem:$0x11FE0] =	vst v1  }
0x4a: {  	s18 =	simm.s32 $0xCD00;
	[tilespmem:$0x11FF0] =	vst v1  }
0x4b: {  	[spmem:s6] =	stream.linear.scatter [tilespmem:s18], [sflag:$0x3], $0x5000, $0x38;
	[tilespmem:$0x1C280] =	vst v63  }
0x4c: {  	_ =	swait.ge [sflag:s15], $0x5000  }
0x4d: {  	[sflag:s15] =	ssyncset.done $0x0  }
0x4e: {  	s2 =	simm.s32 $0x11D00;
	[sflag:s15] =	ssyncadd.s32 $0xFFFFB000  }
0x4f: {  	[spmem:s7] =	stream.linear.scatter [tilespmem:s2], [sflag:$0x3], $0x280, $0x38;
	[tilespmem:$0x1C280] =	vst v63  }
0x50: {  	s14 =	stileid.u32;
	_ =	swait.ge [sflag:s15], $0x280  }
0x51: {  	s0 =	sshll.u32 s14, $0x6;
	[sflag:s15] =	ssyncset.done $0x0  }
0x52: {  	s2 =	sor.u32 $0x1C03, s0;
	[sflag:s15] =	ssyncadd.s32 $0xFFFFFD80  }
0x53: {  	[spmem:s17], [sflag:s2] =	dma.local [hbm:s8], $0xA00  }
0x54: {  	_ =	swait.ge [sflag:s15], $0xA00  }
0x55: {  	[sflag:s15] =	ssyncset.done $0x0  }
0x56: {  	s16 =	simm.s32 $0x0;
	[sflag:s15] =	ssyncadd.s32 $0xFFFFF600  }
0x57: {  	[tilespmem:s16], [sflag:$0x3] =	stream.linear.gather [hbm4b:s9+s16], $0x2800, $0x38;
	[tilespmem:$0x1C280] =	vst v63  }
0x58: {  	_ =	swait.ge [sflag:s15], $0x2800  }
0x59: {  	[sflag:s15] =	ssyncset.done $0x0  }
0x5a: {  	s14 =	simm.s32 $0x2800;
	[sflag:s15] =	ssyncadd.s32 $0xFFFFD800  }
0x5b: {  	[tilespmem:s14], [sflag:$0x3] =	stream.linear.gather [hbm4b:s10+s16], $0x2800, $0x38;
	[tilespmem:$0x1C280] =	vst v63  }
0x5c: {  	_ =	swait.ge [sflag:s15], $0x2800  }
0x5d: {  	[sflag:s15] =	ssyncset.done $0x0  }
0x5e: {  	[sflag:s15] =	ssyncadd.s32 $0xFFFFD800  }
0x5f: {  	s18 =	simm.s32 $0x0;
	[bflag:$0x0] =	sbarrier.arrive $0xFFFF  }
0x60: {  	[tilespmem:s20], [sflag:$0x1] =	stream.indirect.gather [spmem:s4], $0x20, s18, s19, $0xb8;
	[tilespmem:$0x1C280] =	vst v63  }
0x61: {  	s14 =	simm.s32 $0x80  }
0x62: {  	[tilespmem:s21], [sflag:$0x1] =	stream.indirect.gather [spmem:s4], $0x20, s14, s19, $0xb8;
	[tilespmem:$0x1C280] =	vst v63  }
0x63: {  	s16 =	simm.s32 $0x100  }
0x64: {  	[tilespmem:s22], [sflag:$0x1] =	stream.indirect.gather [spmem:s4], $0x20, s16, s19, $0xb8;
	[tilespmem:$0x1C280] =	vst v63  }
0x65: {  	s18 =	simm.s32 $0x180  }
0x66: {  	[tilespmem:s23], [sflag:$0x1] =	stream.indirect.gather [spmem:s4], $0x20, s18, s19, $0xb8;
	[tilespmem:$0x1C280] =	vst v63  }
0x67: {  	s14 =	simm.s32 $0x200  }
0x68: {  	[tilespmem:s24], [sflag:$0x1] =	stream.indirect.gather [spmem:s4], $0x20, s14, s19, $0xb8;
	[tilespmem:$0x1C280] =	vst v63  }
0x69: {  	s16 =	simm.s32 $0x280  }
0x6a: {  	[tilespmem:s25], [sflag:$0x1] =	stream.indirect.gather [spmem:s4], $0x20, s16, s19, $0xb8;
	[tilespmem:$0x1C280] =	vst v63  }
0x6b: {  	s18 =	simm.s32 $0x300  }
0x6c: {  	[tilespmem:s26], [sflag:$0x1] =	stream.indirect.gather [spmem:s4], $0x20, s18, s19, $0xb8;
	[tilespmem:$0x1C280] =	vst v63  }
0x6d: {  	s14 =	simm.s32 $0x380  }
0x6e: {  	[tilespmem:s28], [sflag:$0x1] =	stream.indirect.gather [spmem:s4], $0x20, s14, s19, $0xb8;
	[tilespmem:$0x1C280] =	vst v63  }
0x6f: {  	_ =	swait.ge [sflag:s29], $0xFA0  }
0x70: {  	[sflag:s29] =	ssyncset.done $0x0  }
0x71: {  	s16 =	simm.s32 $0x2800;
	[sflag:s29] =	ssyncadd.s32 $0xFFFFF060  }
0x72: {  	[spmem:s1] =	stream.indirect.scatter.add.f32 [tilespmem:s20], [sflag:$0x2], $0x20, s16, s19, $0xb8;
	[tilespmem:$0x1C280] =	vst v63  }
0x73: {  	_ = 	snop  }
0x74: {  	[spmem:s3] =	stream.indirect.scatter.add.f32 [tilespmem:s30], [sflag:$0x2], $0x1, s16, s19, $0xb8;
	[tilespmem:$0x1C280] =	vst v63  }
0x75: {  	_ =	swait.ge [sflag:s29], $0xFA0  }
0x76: {  	[sflag:s29] =	ssyncset.done $0x0  }
0x77: {  	s18 =	simm.s32 $0x2880;
	[sflag:s29] =	ssyncadd.s32 $0xFFFFF060  }
0x78: {  	[spmem:s1] =	stream.indirect.scatter.add.f32 [tilespmem:s21], [sflag:$0x2], $0x20, s18, s19, $0xb8;
	[tilespmem:$0x1C280] =	vst v63  }
0x79: {  	_ = 	snop  }
0x7a: {  	[spmem:s3] =	stream.indirect.scatter.add.f32 [tilespmem:s30], [sflag:$0x2], $0x1, s18, s19, $0xb8;
	[tilespmem:$0x1C280] =	vst v63  }
0x7b: {  	_ =	swait.ge [sflag:s29], $0xFA0  }
0x7c: {  	[sflag:s29] =	ssyncset.done $0x0  }
0x7d: {  	s14 =	simm.s32 $0x2900;
	[sflag:s29] =	ssyncadd.s32 $0xFFFFF060  }
0x7e: {  	[spmem:s1] =	stream.indirect.scatter.add.f32 [tilespmem:s22], [sflag:$0x2], $0x20, s14, s19, $0xb8;
	[tilespmem:$0x1C280] =	vst v63  }
0x7f: {  	_ = 	snop  }
0x80: {  	[spmem:s3] =	stream.indirect.scatter.add.f32 [tilespmem:s30], [sflag:$0x2], $0x1, s14, s19, $0xb8;
	[tilespmem:$0x1C280] =	vst v63  }
0x81: {  	_ =	swait.ge [sflag:s29], $0xFA0  }
0x82: {  	[sflag:s29] =	ssyncset.done $0x0  }
0x83: {  	s16 =	simm.s32 $0x2980;
	[sflag:s29] =	ssyncadd.s32 $0xFFFFF060  }
0x84: {  	[spmem:s1] =	stream.indirect.scatter.add.f32 [tilespmem:s23], [sflag:$0x2], $0x20, s16, s19, $0xb8;
	[tilespmem:$0x1C280] =	vst v63  }
0x85: {  	_ = 	snop  }
0x86: {  	[spmem:s3] =	stream.indirect.scatter.add.f32 [tilespmem:s30], [sflag:$0x2], $0x1, s16, s19, $0xb8;
	[tilespmem:$0x1C280] =	vst v63  }
0x87: {  	_ =	swait.ge [sflag:s29], $0xFA0  }
0x88: {  	[sflag:s29] =	ssyncset.done $0x0  }
0x89: {  	s18 =	simm.s32 $0x2A00;
	[sflag:s29] =	ssyncadd.s32 $0xFFFFF060  }
0x8a: {  	[spmem:s1] =	stream.indirect.scatter.add.f32 [tilespmem:s24], [sflag:$0x2], $0x20, s18, s19, $0xb8;
	[tilespmem:$0x1C280] =	vst v63  }
0x8b: {  	_ = 	snop  }
0x8c: {  	[spmem:s3] =	stream.indirect.scatter.add.f32 [tilespmem:s30], [sflag:$0x2], $0x1, s18, s19, $0xb8;
	[tilespmem:$0x1C280] =	vst v63  }
0x8d: {  	_ =	swait.ge [sflag:s29], $0xFA0  }
0x8e: {  	[sflag:s29] =	ssyncset.done $0x0  }
0x8f: {  	s14 =	simm.s32 $0x2A80;
	[sflag:s29] =	ssyncadd.s32 $0xFFFFF060  }
0x90: {  	[spmem:s1] =	stream.indirect.scatter.add.f32 [tilespmem:s25], [sflag:$0x2], $0x20, s14, s19, $0xb8;
	[tilespmem:$0x1C280] =	vst v63  }
0x91: {  	_ = 	snop  }
0x92: {  	[spmem:s3] =	stream.indirect.scatter.add.f32 [tilespmem:s30], [sflag:$0x2], $0x1, s14, s19, $0xb8;
	[tilespmem:$0x1C280] =	vst v63  }
0x93: {  	_ =	swait.ge [sflag:s29], $0xFA0  }
0x94: {  	[sflag:s29] =	ssyncset.done $0x0  }
0x95: {  	s16 =	simm.s32 $0x2B00;
	[sflag:s29] =	ssyncadd.s32 $0xFFFFF060  }
0x96: {  	[spmem:s1] =	stream.indirect.scatter.add.f32 [tilespmem:s26], [sflag:$0x2], $0x20, s16, s19, $0xb8;
	[tilespmem:$0x1C280] =	vst v63  }
0x97: {  	_ = 	snop  }
0x98: {  	[spmem:s3] =	stream.indirect.scatter.add.f32 [tilespmem:s30], [sflag:$0x2], $0x1, s16, s19, $0xb8;
	[tilespmem:$0x1C280] =	vst v63  }
0x99: {  	_ =	swait.ge [sflag:s29], $0xFA0  }
0x9a: {  	[sflag:s29] =	ssyncset.done $0x0  }
0x9b: {  	s18 =	simm.s32 $0x2B80;
	[sflag:s29] =	ssyncadd.s32 $0xFFFFF060  }
0x9c: {  	[spmem:s1] =	stream.indirect.scatter.add.f32 [tilespmem:s28], [sflag:$0x2], $0x20, s18, s19, $0xb8;
	[tilespmem:$0x1C280] =	vst v63  }
0x9d: {  	_ = 	snop  }
0x9e: {  	[spmem:s3] =	stream.indirect.scatter.add.f32 [tilespmem:s30], [sflag:$0x2], $0x1, s18, s19, $0xb8;
	[tilespmem:$0x1C280] =	vst v63  }
0x9f: {  	_ =	swait.ge [sflag:s31], $0xFA0  }
0xa0: {  	[sflag:s31] =	ssyncset.done $0x0  }
0xa1: {  	[sflag:s31] =	ssyncadd.s32 $0xFFFFF060  }
0xa2: {  	_ =	swait.ge [sflag:s31], $0x7D  }
0xa3: {  	[sflag:s31] =	ssyncset.done $0x0  }
0xa4: {  	[sflag:s31] =	ssyncadd.s32 $0xFFFFFF83  }
0xa5: {  	_ =	swait.ge [sflag:s31], $0xFA0  }
0xa6: {  	[sflag:s31] =	ssyncset.done $0x0  }
0xa7: {  	[sflag:s31] =	ssyncadd.s32 $0xFFFFF060  }
0xa8: {  	_ =	swait.ge [sflag:s31], $0x7D  }
0xa9: {  	[sflag:s31] =	ssyncset.done $0x0  }
0xaa: {  	[sflag:s31] =	ssyncadd.s32 $0xFFFFFF83  }
0xab: {  	_ =	swait.ge [sflag:s31], $0xFA0  }
0xac: {  	[sflag:s31] =	ssyncset.done $0x0  }
0xad: {  	[sflag:s31] =	ssyncadd.s32 $0xFFFFF060  }
0xae: {  	_ =	swait.ge [sflag:s31], $0x7D  }
0xaf: {  	[sflag:s31] =	ssyncset.done $0x0  }
0xb0: {  	[sflag:s31] =	ssyncadd.s32 $0xFFFFFF83  }
0xb1: {  	_ =	swait.ge [sflag:s31], $0xFA0  }
0xb2: {  	[sflag:s31] =	ssyncset.done $0x0  }
0xb3: {  	[sflag:s31] =	ssyncadd.s32 $0xFFFFF060  }
0xb4: {  	_ =	swait.ge [sflag:s31], $0x7D  }
0xb5: {  	[sflag:s31] =	ssyncset.done $0x0  }
0xb6: {  	[sflag:s31] =	ssyncadd.s32 $0xFFFFFF83  }
0xb7: {  	_ =	swait.ge [sflag:s31], $0xFA0  }
0xb8: {  	[sflag:s31] =	ssyncset.done $0x0  }
0xb9: {  	[sflag:s31] =	ssyncadd.s32 $0xFFFFF060  }
0xba: {  	_ =	swait.ge [sflag:s31], $0x7D  }
0xbb: {  	[sflag:s31] =	ssyncset.done $0x0  }
0xbc: {  	[sflag:s31] =	ssyncadd.s32 $0xFFFFFF83  }
0xbd: {  	_ =	swait.ge [sflag:s31], $0xFA0  }
0xbe: {  	[sflag:s31] =	ssyncset.done $0x0  }
0xbf: {  	[sflag:s31] =	ssyncadd.s32 $0xFFFFF060  }
0xc0: {  	_ =	swait.ge [sflag:s31], $0x7D  }
0xc1: {  	[sflag:s31] =	ssyncset.done $0x0  }
0xc2: {  	[sflag:s31] =	ssyncadd.s32 $0xFFFFFF83  }
0xc3: {  	_ =	swait.ge [sflag:s31], $0xFA0  }
0xc4: {  	[sflag:s31] =	ssyncset.done $0x0  }
0xc5: {  	[sflag:s31] =	ssyncadd.s32 $0xFFFFF060  }
0xc6: {  	_ =	swait.ge [sflag:s31], $0x7D  }
0xc7: {  	[sflag:s31] =	ssyncset.done $0x0  }
0xc8: {  	[sflag:s31] =	ssyncadd.s32 $0xFFFFFF83  }
0xc9: {  	_ =	swait.ge [sflag:s31], $0xFA0  }
0xca: {  	[sflag:s31] =	ssyncset.done $0x0  }
0xcb: {  	[sflag:s31] =	ssyncadd.s32 $0xFFFFF060  }
0xcc: {  	_ =	swait.ge [sflag:s31], $0x7D  }
0xcd: {  	s14 =	simm.s32 $0x1000;
	s16 =	simm.s32 $0x2000;
	[sflag:s31] =	ssyncset.done $0x0  }
.LBB2_4:
0xce: {  	s18 =	sshra.s32 s14, $0x2  }
0xcf: {  	[sflag:s31] =	ssyncadd.s32 $0xFFFFFF83;
	s14 =	smov.u32 s16;
	s0 =	sadd.s32 $0x1000, s16  }
0xd0: {  	[tilespmem:s20], [sflag:$0x1] =	stream.indirect.gather [spmem:s4], $0x20, s18, s19, $0xb8;
	[tilespmem:$0x1C280] =	vst v63  }
0xd1: {  	p0 =	sne.s32 s16, $0x9000;
	s16 =	sadd.s32 $0x80, s18  }
0xd2: {  	[tilespmem:s21], [sflag:$0x1] =	stream.indirect.gather [spmem:s4], $0x20, s16, s19, $0xb8;
	[tilespmem:$0x1C280] =	vst v63  }
0xd3: {  	s16 =	sadd.s32 $0x100, s18  }
0xd4: {  	[tilespmem:s22], [sflag:$0x1] =	stream.indirect.gather [spmem:s4], $0x20, s16, s19, $0xb8;
	[tilespmem:$0x1C280] =	vst v63  }
0xd5: {  	s16 =	sadd.s32 $0x180, s18  }
0xd6: {  	[tilespmem:s23], [sflag:$0x1] =	stream.indirect.gather [spmem:s4], $0x20, s16, s19, $0xb8;
	[tilespmem:$0x1C280] =	vst v63  }
0xd7: {  	s16 =	sadd.s32 $0x200, s18  }
0xd8: {  	[tilespmem:s24], [sflag:$0x1] =	stream.indirect.gather [spmem:s4], $0x20, s16, s19, $0xb8;
	[tilespmem:$0x1C280] =	vst v63  }
0xd9: {  	s16 =	sadd.s32 $0x280, s18  }
0xda: {  	[tilespmem:s25], [sflag:$0x1] =	stream.indirect.gather [spmem:s4], $0x20, s16, s19, $0xb8;
	[tilespmem:$0x1C280] =	vst v63  }
0xdb: {  	s16 =	sadd.s32 $0x300, s18  }
0xdc: {  	[tilespmem:s26], [sflag:$0x1] =	stream.indirect.gather [spmem:s4], $0x20, s16, s19, $0xb8;
	[tilespmem:$0x1C280] =	vst v63  }
0xdd: {  	s16 =	sadd.s32 $0x380, s18  }
0xde: {  	[tilespmem:s28], [sflag:$0x1] =	stream.indirect.gather [spmem:s4], $0x20, s16, s19, $0xb8;
	[tilespmem:$0x1C280] =	vst v63  }
0xdf: {  	_ =	swait.ge [sflag:s29], $0xFA0  }
0xe0: {  	[sflag:s29] =	ssyncset.done $0x0  }
0xe1: {  	s16 =	sadd.s32 $0x2800, s18;
	[sflag:s29] =	ssyncadd.s32 $0xFFFFF060  }
0xe2: {  	[spmem:s1] =	stream.indirect.scatter.add.f32 [tilespmem:s20], [sflag:$0x2], $0x20, s16, s19, $0xb8;
	[tilespmem:$0x1C280] =	vst v63  }
0xe3: {  	_ = 	snop  }
0xe4: {  	[spmem:s3] =	stream.indirect.scatter.add.f32 [tilespmem:s30], [sflag:$0x2], $0x1, s16, s19, $0xb8;
	[tilespmem:$0x1C280] =	vst v63  }
0xe5: {  	_ =	swait.ge [sflag:s29], $0xFA0  }
0xe6: {  	[sflag:s29] =	ssyncset.done $0x0  }
0xe7: {  	s16 =	sadd.s32 $0x2880, s18;
	[sflag:s29] =	ssyncadd.s32 $0xFFFFF060  }
0xe8: {  	[spmem:s1] =	stream.indirect.scatter.add.f32 [tilespmem:s21], [sflag:$0x2], $0x20, s16, s19, $0xb8;
	[tilespmem:$0x1C280] =	vst v63  }
0xe9: {  	_ = 	snop  }
0xea: {  	[spmem:s3] =	stream.indirect.scatter.add.f32 [tilespmem:s30], [sflag:$0x2], $0x1, s16, s19, $0xb8;
	[tilespmem:$0x1C280] =	vst v63  }
0xeb: {  	_ =	swait.ge [sflag:s29], $0xFA0  }
0xec: {  	[sflag:s29] =	ssyncset.done $0x0  }
0xed: {  	s16 =	sadd.s32 $0x2900, s18;
	[sflag:s29] =	ssyncadd.s32 $0xFFFFF060  }
0xee: {  	[spmem:s1] =	stream.indirect.scatter.add.f32 [tilespmem:s22], [sflag:$0x2], $0x20, s16, s19, $0xb8;
	[tilespmem:$0x1C280] =	vst v63  }
0xef: {  	_ = 	snop  }
0xf0: {  	[spmem:s3] =	stream.indirect.scatter.add.f32 [tilespmem:s30], [sflag:$0x2], $0x1, s16, s19, $0xb8;
	[tilespmem:$0x1C280] =	vst v63  }
0xf1: {  	_ =	swait.ge [sflag:s29], $0xFA0  }
0xf2: {  	[sflag:s29] =	ssyncset.done $0x0  }
0xf3: {  	s16 =	sadd.s32 $0x2980, s18;
	[sflag:s29] =	ssyncadd.s32 $0xFFFFF060  }
0xf4: {  	[spmem:s1] =	stream.indirect.scatter.add.f32 [tilespmem:s23], [sflag:$0x2], $0x20, s16, s19, $0xb8;
	[tilespmem:$0x1C280] =	vst v63  }
0xf5: {  	_ = 	snop  }
0xf6: {  	[spmem:s3] =	stream.indirect.scatter.add.f32 [tilespmem:s30], [sflag:$0x2], $0x1, s16, s19, $0xb8;
	[tilespmem:$0x1C280] =	vst v63  }
0xf7: {  	_ =	swait.ge [sflag:s29], $0xFA0  }
0xf8: {  	[sflag:s29] =	ssyncset.done $0x0  }
0xf9: {  	s16 =	sadd.s32 $0x2A00, s18;
	[sflag:s29] =	ssyncadd.s32 $0xFFFFF060  }
0xfa: {  	[spmem:s1] =	stream.indirect.scatter.add.f32 [tilespmem:s24], [sflag:$0x2], $0x20, s16, s19, $0xb8;
	[tilespmem:$0x1C280] =	vst v63  }
0xfb: {  	_ = 	snop  }
0xfc: {  	[spmem:s3] =	stream.indirect.scatter.add.f32 [tilespmem:s30], [sflag:$0x2], $0x1, s16, s19, $0xb8;
	[tilespmem:$0x1C280] =	vst v63  }
0xfd: {  	_ =	swait.ge [sflag:s29], $0xFA0  }
0xfe: {  	[sflag:s29] =	ssyncset.done $0x0  }
0xff: {  	s16 =	sadd.s32 $0x2A80, s18;
	[sflag:s29] =	ssyncadd.s32 $0xFFFFF060  }
0x100: {  	[spmem:s1] =	stream.indirect.scatter.add.f32 [tilespmem:s25], [sflag:$0x2], $0x20, s16, s19, $0xb8;
	[tilespmem:$0x1C280] =	vst v63  }
0x101: {  	_ = 	snop  }
0x102: {  	[spmem:s3] =	stream.indirect.scatter.add.f32 [tilespmem:s30], [sflag:$0x2], $0x1, s16, s19, $0xb8;
	[tilespmem:$0x1C280] =	vst v63  }
0x103: {  	_ =	swait.ge [sflag:s29], $0xFA0  }
0x104: {  	[sflag:s29] =	ssyncset.done $0x0  }
0x105: {  	s16 =	sadd.s32 $0x2B00, s18;
	[sflag:s29] =	ssyncadd.s32 $0xFFFFF060  }
0x106: {  	[spmem:s1] =	stream.indirect.scatter.add.f32 [tilespmem:s26], [sflag:$0x2], $0x20, s16, s19, $0xb8;
	[tilespmem:$0x1C280] =	vst v63  }
0x107: {  	_ = 	snop  }
0x108: {  	[spmem:s3] =	stream.indirect.scatter.add.f32 [tilespmem:s30], [sflag:$0x2], $0x1, s16, s19, $0xb8;
	[tilespmem:$0x1C280] =	vst v63  }
0x109: {  	_ =	swait.ge [sflag:s29], $0xFA0  }
0x10a: {  	[sflag:s29] =	ssyncset.done $0x0  }
0x10b: {  	s16 =	sadd.s32 $0x2B80, s18;
	[sflag:s29] =	ssyncadd.s32 $0xFFFFF060  }
0x10c: {  	[spmem:s1] =	stream.indirect.scatter.add.f32 [tilespmem:s28], [sflag:$0x2], $0x20, s16, s19, $0xb8;
	[tilespmem:$0x1C280] =	vst v63  }
0x10d: {  	_ = 	snop  }
0x10e: {  	[spmem:s3] =	stream.indirect.scatter.add.f32 [tilespmem:s30], [sflag:$0x2], $0x1, s16, s19, $0xb8;
	[tilespmem:$0x1C280] =	vst v63  }
0x10f: {  	_ =	swait.ge [sflag:s31], $0xFA0  }
0x110: {  	[sflag:s31] =	ssyncset.done $0x0  }
0x111: {  	[sflag:s31] =	ssyncadd.s32 $0xFFFFF060  }
0x112: {  	_ =	swait.ge [sflag:s31], $0x7D  }
0x113: {  	[sflag:s31] =	ssyncset.done $0x0  }
0x114: {  	[sflag:s31] =	ssyncadd.s32 $0xFFFFFF83  }
0x115: {  	_ =	swait.ge [sflag:s31], $0xFA0  }
0x116: {  	[sflag:s31] =	ssyncset.done $0x0  }
0x117: {  	[sflag:s31] =	ssyncadd.s32 $0xFFFFF060  }
0x118: {  	_ =	swait.ge [sflag:s31], $0x7D  }
0x119: {  	[sflag:s31] =	ssyncset.done $0x0  }
0x11a: {  	[sflag:s31] =	ssyncadd.s32 $0xFFFFFF83  }
0x11b: {  	_ =	swait.ge [sflag:s31], $0xFA0  }
0x11c: {  	[sflag:s31] =	ssyncset.done $0x0  }
0x11d: {  	[sflag:s31] =	ssyncadd.s32 $0xFFFFF060  }
0x11e: {  	_ =	swait.ge [sflag:s31], $0x7D  }
0x11f: {  	[sflag:s31] =	ssyncset.done $0x0  }
0x120: {  	[sflag:s31] =	ssyncadd.s32 $0xFFFFFF83  }
0x121: {  	_ =	swait.ge [sflag:s31], $0xFA0  }
0x122: {  	[sflag:s31] =	ssyncset.done $0x0  }
0x123: {  	[sflag:s31] =	ssyncadd.s32 $0xFFFFF060  }
0x124: {  	_ =	swait.ge [sflag:s31], $0x7D  }
0x125: {  	[sflag:s31] =	ssyncset.done $0x0  }
0x126: {  	[sflag:s31] =	ssyncadd.s32 $0xFFFFFF83  }
0x127: {  	_ =	swait.ge [sflag:s31], $0xFA0  }
0x128: {  	[sflag:s31] =	ssyncset.done $0x0  }
0x129: {  	[sflag:s31] =	ssyncadd.s32 $0xFFFFF060  }
0x12a: {  	_ =	swait.ge [sflag:s31], $0x7D  }
0x12b: {  	[sflag:s31] =	ssyncset.done $0x0  }
0x12c: {  	[sflag:s31] =	ssyncadd.s32 $0xFFFFFF83  }
0x12d: {  	_ =	swait.ge [sflag:s31], $0xFA0  }
0x12e: {  	[sflag:s31] =	ssyncset.done $0x0  }
0x12f: {  	[sflag:s31] =	ssyncadd.s32 $0xFFFFF060  }
0x130: {  	_ =	swait.ge [sflag:s31], $0x7D  }
0x131: {  	[sflag:s31] =	ssyncset.done $0x0  }
0x132: {  	[sflag:s31] =	ssyncadd.s32 $0xFFFFFF83  }
0x133: {  	_ =	swait.ge [sflag:s31], $0xFA0  }
0x134: {  	[sflag:s31] =	ssyncset.done $0x0  }
0x135: {  	[sflag:s31] =	ssyncadd.s32 $0xFFFFF060  }
0x136: {  	_ =	swait.ge [sflag:s31], $0x7D  }
0x137: {  	[sflag:s31] =	ssyncset.done $0x0  }
0x138: {  	[sflag:s31] =	ssyncadd.s32 $0xFFFFFF83  }
.Ltmp1:
0x139: {  	_ =	swait.ge [sflag:s31], $0xFA0;
	(pc) =	sbr.rel @p0 .LBB2_4-.Ltmp1, $4  }
0x13a: {  	[sflag:s31] =	ssyncset.done $0x0  }
0x13b: {  	[sflag:s31] =	ssyncadd.s32 $0xFFFFF060  }
0x13c: {  	_ =	swait.ge [sflag:s31], $0x7D  }
0x13d: {  	s16 =	smov.u32 s0;
	[sflag:s31] =	ssyncset.done $0x0  }
0x13e: {  	s0 =	sshra.s32 s14, $0x2;
	[sflag:s31] =	ssyncadd.s32 $0xFFFFFF83  }
0x13f: {  	[tilespmem:s20], [sflag:$0x1] =	stream.indirect.gather [spmem:s4], $0x20, s0, s19, $0xb8;
	[tilespmem:$0x1C280] =	vst v63  }
0x140: {  	s14 =	sadd.s32 $0x80, s0  }
0x141: {  	[tilespmem:s21], [sflag:$0x1] =	stream.indirect.gather [spmem:s4], $0x20, s14, s19, $0xb8;
	[tilespmem:$0x1C280] =	vst v63  }
0x142: {  	s18 =	sadd.s32 $0x100, s0  }
0x143: {  	[tilespmem:s22], [sflag:$0x1] =	stream.indirect.gather [spmem:s4], $0x20, s18, s19, $0xb8;
	[tilespmem:$0x1C280] =	vst v63  }
0x144: {  	s16 =	sadd.s32 $0x180, s0  }
0x145: {  	[tilespmem:s23], [sflag:$0x1] =	stream.indirect.gather [spmem:s4], $0x20, s16, s19, $0xb8;
	[tilespmem:$0x1C280] =	vst v63  }
0x146: {  	s18 =	sadd.s32 $0x200, s0  }
0x147: {  	[tilespmem:s24], [sflag:$0x1] =	stream.indirect.gather [spmem:s4], $0x20, s18, s19, $0xb8;
	[tilespmem:$0x1C280] =	vst v63  }
0x148: {  	s16 =	sadd.s32 $0x280, s0  }
0x149: {  	[tilespmem:s25], [sflag:$0x1] =	stream.indirect.gather [spmem:s4], $0x20, s16, s19, $0xb8;
	[tilespmem:$0x1C280] =	vst v63  }
0x14a: {  	s18 =	sadd.s32 $0x300, s0  }
0x14b: {  	[tilespmem:s26], [sflag:$0x1] =	stream.indirect.gather [spmem:s4], $0x20, s18, s19, $0xb8;
	[tilespmem:$0x1C280] =	vst v63  }
0x14c: {  	s16 =	sadd.s32 $0x380, s0  }
0x14d: {  	[tilespmem:s28], [sflag:$0x1] =	stream.indirect.gather [spmem:s4], $0x20, s16, s19, $0xb8;
	[tilespmem:$0x1C280] =	vst v63  }
0x14e: {  	_ =	swait.ge [sflag:s29], $0xFA0  }
0x14f: {  	[sflag:s29] =	ssyncset.done $0x0  }
0x150: {  	s18 =	sadd.s32 $0x2800, s0;
	[sflag:s29] =	ssyncadd.s32 $0xFFFFF060  }
0x151: {  	[spmem:s1] =	stream.indirect.scatter.add.f32 [tilespmem:s20], [sflag:$0x2], $0x20, s18, s19, $0xb8;
	[tilespmem:$0x1C280] =	vst v63  }
0x152: {  	_ = 	snop  }
0x153: {  	[spmem:s3] =	stream.indirect.scatter.add.f32 [tilespmem:s30], [sflag:$0x2], $0x1, s18, s19, $0xb8;
	[tilespmem:$0x1C280] =	vst v63  }
0x154: {  	_ =	swait.ge [sflag:s29], $0xFA0  }
0x155: {  	[sflag:s29] =	ssyncset.done $0x0  }
0x156: {  	s16 =	sadd.s32 $0x2880, s0;
	[sflag:s29] =	ssyncadd.s32 $0xFFFFF060  }
0x157: {  	[spmem:s1] =	stream.indirect.scatter.add.f32 [tilespmem:s21], [sflag:$0x2], $0x20, s16, s19, $0xb8;
	[tilespmem:$0x1C280] =	vst v63  }
0x158: {  	_ = 	snop  }
0x159: {  	[spmem:s3] =	stream.indirect.scatter.add.f32 [tilespmem:s30], [sflag:$0x2], $0x1, s16, s19, $0xb8;
	[tilespmem:$0x1C280] =	vst v63  }
0x15a: {  	_ =	swait.ge [sflag:s29], $0xFA0  }
0x15b: {  	[sflag:s29] =	ssyncset.done $0x0  }
0x15c: {  	s18 =	sadd.s32 $0x2900, s0;
	[sflag:s29] =	ssyncadd.s32 $0xFFFFF060  }
0x15d: {  	[spmem:s1] =	stream.indirect.scatter.add.f32 [tilespmem:s22], [sflag:$0x2], $0x20, s18, s19, $0xb8;
	[tilespmem:$0x1C280] =	vst v63  }
0x15e: {  	_ = 	snop  }
0x15f: {  	[spmem:s3] =	stream.indirect.scatter.add.f32 [tilespmem:s30], [sflag:$0x2], $0x1, s18, s19, $0xb8;
	[tilespmem:$0x1C280] =	vst v63  }
0x160: {  	_ =	swait.ge [sflag:s29], $0xFA0  }
0x161: {  	[sflag:s29] =	ssyncset.done $0x0  }
0x162: {  	s16 =	sadd.s32 $0x2980, s0;
	[sflag:s29] =	ssyncadd.s32 $0xFFFFF060  }
0x163: {  	[spmem:s1] =	stream.indirect.scatter.add.f32 [tilespmem:s23], [sflag:$0x2], $0x20, s16, s19, $0xb8;
	[tilespmem:$0x1C280] =	vst v63  }
0x164: {  	_ = 	snop  }
0x165: {  	[spmem:s3] =	stream.indirect.scatter.add.f32 [tilespmem:s30], [sflag:$0x2], $0x1, s16, s19, $0xb8;
	[tilespmem:$0x1C280] =	vst v63  }
0x166: {  	_ =	swait.ge [sflag:s29], $0xFA0  }
0x167: {  	[sflag:s29] =	ssyncset.done $0x0  }
0x168: {  	s18 =	sadd.s32 $0x2A00, s0;
	[sflag:s29] =	ssyncadd.s32 $0xFFFFF060  }
0x169: {  	[spmem:s1] =	stream.indirect.scatter.add.f32 [tilespmem:s24], [sflag:$0x2], $0x20, s18, s19, $0xb8;
	[tilespmem:$0x1C280] =	vst v63  }
0x16a: {  	_ = 	snop  }
0x16b: {  	[spmem:s3] =	stream.indirect.scatter.add.f32 [tilespmem:s30], [sflag:$0x2], $0x1, s18, s19, $0xb8;
	[tilespmem:$0x1C280] =	vst v63  }
0x16c: {  	_ =	swait.ge [sflag:s29], $0xFA0  }
0x16d: {  	[sflag:s29] =	ssyncset.done $0x0  }
0x16e: {  	s16 =	sadd.s32 $0x2A80, s0;
	[sflag:s29] =	ssyncadd.s32 $0xFFFFF060  }
0x16f: {  	[spmem:s1] =	stream.indirect.scatter.add.f32 [tilespmem:s25], [sflag:$0x2], $0x20, s16, s19, $0xb8;
	[tilespmem:$0x1C280] =	vst v63  }
0x170: {  	_ = 	snop  }
0x171: {  	[spmem:s3] =	stream.indirect.scatter.add.f32 [tilespmem:s30], [sflag:$0x2], $0x1, s16, s19, $0xb8;
	[tilespmem:$0x1C280] =	vst v63  }
0x172: {  	_ =	swait.ge [sflag:s29], $0xFA0  }
0x173: {  	[sflag:s29] =	ssyncset.done $0x0  }
0x174: {  	s18 =	sadd.s32 $0x2B00, s0;
	[sflag:s29] =	ssyncadd.s32 $0xFFFFF060  }
0x175: {  	[spmem:s1] =	stream.indirect.scatter.add.f32 [tilespmem:s26], [sflag:$0x2], $0x20, s18, s19, $0xb8;
	[tilespmem:$0x1C280] =	vst v63  }
0x176: {  	_ = 	snop  }
0x177: {  	[spmem:s3] =	stream.indirect.scatter.add.f32 [tilespmem:s30], [sflag:$0x2], $0x1, s18, s19, $0xb8;
	[tilespmem:$0x1C280] =	vst v63  }
0x178: {  	_ =	swait.ge [sflag:s29], $0xFA0  }
0x179: {  	[sflag:s29] =	ssyncset.done $0x0  }
0x17a: {  	s0 =	sadd.s32 $0x2B80, s0;
	[sflag:s29] =	ssyncadd.s32 $0xFFFFF060  }
0x17b: {  	[spmem:s1] =	stream.indirect.scatter.add.f32 [tilespmem:s28], [sflag:$0x2], $0x20, s0, s19, $0xb8;
	[tilespmem:$0x1C280] =	vst v63  }
0x17c: {  	_ = 	snop  }
0x17d: {  	[spmem:s3] =	stream.indirect.scatter.add.f32 [tilespmem:s30], [sflag:$0x2], $0x1, s0, s19, $0xb8;
	[tilespmem:$0x1C280] =	vst v63  }
0x17e: {  	_ =	swait.ge [sflag:s31], $0xFA0  }
0x17f: {  	[sflag:s31] =	ssyncset.done $0x0  }
0x180: {  	[sflag:s31] =	ssyncadd.s32 $0xFFFFF060  }
0x181: {  	_ =	swait.ge [sflag:s31], $0x7D  }
0x182: {  	[sflag:s31] =	ssyncset.done $0x0  }
0x183: {  	[sflag:s31] =	ssyncadd.s32 $0xFFFFFF83  }
0x184: {  	_ =	swait.ge [sflag:s31], $0xFA0  }
0x185: {  	[sflag:s31] =	ssyncset.done $0x0  }
0x186: {  	[sflag:s31] =	ssyncadd.s32 $0xFFFFF060  }
0x187: {  	_ =	swait.ge [sflag:s31], $0x7D  }
0x188: {  	[sflag:s31] =	ssyncset.done $0x0  }
0x189: {  	[sflag:s31] =	ssyncadd.s32 $0xFFFFFF83  }
0x18a: {  	_ =	swait.ge [sflag:s31], $0xFA0  }
0x18b: {  	[sflag:s31] =	ssyncset.done $0x0  }
0x18c: {  	[sflag:s31] =	ssyncadd.s32 $0xFFFFF060  }
0x18d: {  	_ =	swait.ge [sflag:s31], $0x7D  }
0x18e: {  	[sflag:s31] =	ssyncset.done $0x0  }
0x18f: {  	[sflag:s31] =	ssyncadd.s32 $0xFFFFFF83  }
0x190: {  	_ =	swait.ge [sflag:s31], $0xFA0  }
0x191: {  	[sflag:s31] =	ssyncset.done $0x0  }
0x192: {  	[sflag:s31] =	ssyncadd.s32 $0xFFFFF060  }
0x193: {  	_ =	swait.ge [sflag:s31], $0x7D  }
0x194: {  	[sflag:s31] =	ssyncset.done $0x0  }
0x195: {  	[sflag:s31] =	ssyncadd.s32 $0xFFFFFF83  }
0x196: {  	_ =	swait.ge [sflag:s31], $0xFA0  }
0x197: {  	[sflag:s31] =	ssyncset.done $0x0  }
0x198: {  	[sflag:s31] =	ssyncadd.s32 $0xFFFFF060  }
0x199: {  	_ =	swait.ge [sflag:s31], $0x7D  }
0x19a: {  	[sflag:s31] =	ssyncset.done $0x0  }
0x19b: {  	[sflag:s31] =	ssyncadd.s32 $0xFFFFFF83  }
0x19c: {  	_ =	swait.ge [sflag:s31], $0xFA0  }
0x19d: {  	[sflag:s31] =	ssyncset.done $0x0  }
0x19e: {  	[sflag:s31] =	ssyncadd.s32 $0xFFFFF060  }
0x19f: {  	_ =	swait.ge [sflag:s31], $0x7D  }
0x1a0: {  	[sflag:s31] =	ssyncset.done $0x0  }
0x1a1: {  	[sflag:s31] =	ssyncadd.s32 $0xFFFFFF83  }
0x1a2: {  	_ =	swait.ge [sflag:s31], $0xFA0  }
0x1a3: {  	[sflag:s31] =	ssyncset.done $0x0  }
0x1a4: {  	[sflag:s31] =	ssyncadd.s32 $0xFFFFF060  }
0x1a5: {  	_ =	swait.ge [sflag:s31], $0x7D  }
0x1a6: {  	[sflag:s31] =	ssyncset.done $0x0  }
0x1a7: {  	[sflag:s31] =	ssyncadd.s32 $0xFFFFFF83  }
0x1a8: {  	_ =	swait.ge [sflag:s31], $0xFA0  }
0x1a9: {  	[sflag:s31] =	ssyncset.done $0x0  }
0x1aa: {  	[sflag:s31] =	ssyncadd.s32 $0xFFFFF060  }
0x1ab: {  	_ =	swait.ge [sflag:s31], $0x7D  }
0x1ac: {  	[sflag:s31] =	ssyncset.done $0x0  }
0x1ad: {  	[sflag:s31] =	ssyncadd.s32 $0xFFFFFF83  }
0x1ae: {  	s16 =	sshrl.u32 s6, $0x3;
	[bflag:$0x0] =	sbarrier.arrive $0xFFFF  }
0x1af: {  	[hbm:s12], [sflag:s2] =	dma.local [spmem:s16], $0xA00  }
0x1b0: {  	s5 =	sadd.s32 $0x1, s5;
	_ =	swait.ge [sflag:s15], $0xA00  }
0x1b1: {  	p0 =	sne.s32 s5, s11;
	[sflag:s15] =	ssyncset.done $0x0  }
.Ltmp2:
0x1b2: {  	s18 =	sshrl.u32 s7, $0x3;
	[sflag:s15] =	ssyncadd.s32 $0xFFFFF600;
	(pc) =	sbr.rel @p0 .LBB2_1-.Ltmp2, $4  }
0x1b3: {  	[hbm:s13], [sflag:s2] =	dma.local [spmem:s18], $0x50  }
0x1b4: {  	_ =	swait.ge [sflag:s15], $0x50  }
0x1b5: {  	[sflag:s15] =	ssyncset.done $0x0  }
0x1b6: {  	[sflag:s15] =	ssyncadd.s32 $0xFFFFFFB0  }
0x1b7: {  	_ =	sfence.sel $0x180000  }
0x1b8: {  	[bflag:$0x0] =	sbarrier.arrive $0xFFFF  }
0x1b9: {  	_ =	strace $0x90000047  }
0x1ba: {  	s0 =	stileid.u32;
	[bflag:$0x2] =	sbarrier.arrive $0xFFFF  }
0x1bb: {  	p0 =	sne.s32 s0, $0x0;
	s0 =	rddreg [dreg:$0x4]  }
0x1bc: {  	s0 =	sadd.s32 @!p0 $0x100000, s0  }
0x1bd: {  	[sflag:s0] =	ssyncadd.tile.s32 @!p0 $0x1;
	_ =	shalt  }
.Lfunc_end2:
_tile_overlayer_lowered:
.L_overlay_start_2:
0x1be: {  	(tag) =	ssettag $0x2  }
0x1bf: {  	s0 =	rddreg [dreg:$0x0];
	s2 =	stileid.u32  }
0x1c0: {  	s1 =	rddreg [dreg:$0x1];
	p0 =	sne.s32 s2, $0x0  }
0x1c1: {  	s3 =	rddreg [dreg:$0x2];
	[bflag:$0x3] =	sbarrier.arrive $0xFFFF;
	s2 =	simm.s32 @!p0 $0x1C03  }
0x1c2: {  	[timem:s3], [sflag:s2] =	dma.local @!p0 [hbm:s0], s1  }
0x1c3: {  	s0 =	simm.s32 @!p0 $0x3  }
0x1c4: {  	_ =	swait.ge @!p0 [sflag:s0], s1  }
0x1c5: {  	s1 =	ssub.s32 @!p0 $0x0, s1;
	[sflag:s0] =	ssyncset.done @!p0 $0x0  }
0x1c6: {  	[sflag:s0] =	ssyncadd.s32 @!p0 s1  }
0x1c7: {  	[bflag:$0x3] =	sbarrier.arrive $0xFFFF  }
0x1c8: {  	_ =	shalt  }

</sc_bundles>
